<compile_context>
chip_gen: v7x
topology: tpu7x:2x2x1
jax: 0.10.2.dev20260603
libtpu: 0.0.44.dev20260713+nightly
codegen_flags: <defaults>
</compile_context>

<pallas_src>
import functools

import jax
import jax.numpy as jnp
import numpy as np
from jax import lax
from jax.experimental import pallas as pl
from jax.experimental.pallas import tpu as pltpu
from jax.experimental.pallas import tpu_sc as plsc

_NC = 2
_NS = 16
_NW = _NC * _NS
_CHUNK = 128
_NBUF = 2
_LANES = 16
_OFFS = (0, 16, 32, 48, 64, 80, 84)
_RSQRT_MAGIC = np.int32(0x5F3759DF)


def _make_kernel(total, pair_rows, dim, seq_len):
    per_w = total // _NW
    nch = per_w // _CHUNK
    mesh = plsc.VectorSubcoreMesh(core_axis_name="c", subcore_axis_name="s")

    @functools.partial(
        pl.kernel,
        out_type=jax.ShapeDtypeStruct((total, dim), jnp.float32),
        mesh=mesh,
        scratch_types=[
            pltpu.VMEM((nch, _CHUNK), jnp.int32),
            pltpu.VMEM((nch, _CHUNK + _LANES), jnp.int32),
            pltpu.VMEM((seq_len, dim), jnp.float32),
            pltpu.VMEM((dim,), jnp.float32),
            pltpu.VMEM((dim,), jnp.float32),
            pltpu.VMEM((dim,), jnp.float32),
            pltpu.VMEM((_CHUNK, 2 * dim), jnp.float32),
            pltpu.VMEM((_CHUNK, 2 * dim), jnp.float32),
            pltpu.VMEM((_CHUNK, dim), jnp.float32),
            pltpu.VMEM((_CHUNK, dim), jnp.float32),
            pltpu.SemaphoreType.DMA,
            pltpu.SemaphoreType.DMA,
            pltpu.SemaphoreType.DMA,
            pltpu.SemaphoreType.DMA,
        ],
        compiler_params=pltpu.CompilerParams(use_tc_tiling_on_sc=False),
    )
    def ln_embed(pidx_hbm, aux_hbm, table_hbm, last_hbm, pos_hbm, gamma_hbm,
                 beta_hbm, out_hbm, idx_v, aux_v, pos_v, g_v, b_v, lr_v,
                 in0, in1, o0, o1, gs0, gs1, ws0, ws1):
        wid = lax.axis_index("s") * _NC + lax.axis_index("c")
        ins = (in0, in1)
        outs = (o0, o1)
        gsem = (gs0, gs1)
        wsem = (ws0, ws1)

        pltpu.sync_copy(pidx_hbm.at[wid], idx_v)
        pltpu.sync_copy(aux_hbm.at[wid], aux_v)
        pltpu.sync_copy(pos_hbm, pos_v)
        pltpu.sync_copy(gamma_hbm, g_v)
        pltpu.sync_copy(beta_hbm, b_v)
        pltpu.sync_copy(last_hbm, lr_v)

        def gather_copy(k, b):
            return pltpu.make_async_copy(
                table_hbm.at[idx_v.at[k]], ins[b], gsem[b])

        def write_copy(k, b):
            base = wid * per_w + k * _CHUNK
            return pltpu.make_async_copy(
                outs[b], out_hbm.at[pl.ds(base, _CHUNK)], wsem[b])

        lane = lax.iota(jnp.int32, _LANES)
        tail_mask = lane >= (_LANES - dim % _LANES)
        perms = [lane ^ s for s in (8, 4, 2, 1)]

        def lane_sum(x):
            for p in perms:
                x = x + x.at[p].get(mode="promise_in_bounds")
            return x

        gammas = [g_v[pl.ds(o, _LANES)] for o in _OFFS]
        betas = [b_v[pl.ds(o, _LANES)] for o in _OFFS]
        lasts = [lr_v[pl.ds(o, _LANES)] for o in _OFFS]
        inv_dim = np.float32(1.0 / dim)

        def do_row(k, in_ref, out_ref, i, l):
            aux = aux_v[k, pl.ds(i, _LANES)][0]
            cb = (aux & 1) * dim
            il = aux >= 2
            xs = [jnp.where(il, lasts[c], in_ref[i, pl.ds(cb + o, _LANES)])
                  + pos_v[l, pl.ds(o, _LANES)]
                  for c, o in enumerate(_OFFS)]
            xm = jnp.where(tail_mask, xs[6], np.float32(0.0))
            ts = ((xs[0] + xs[1]) + (xs[2] + xs[3])) + ((xs[4] + xs[5]) + xm)
            sq = [x * x for x in xs[:6]] + [xm * xm]
            tq = ((sq[0] + sq[1]) + (sq[2] + sq[3])) + ((sq[4] + sq[5]) + sq[6])
            mv = lane_sum(ts) * inv_dim
            ex2 = lane_sum(tq) * inv_dim
            vx = ex2 - mv * mv + np.float32(1e-6)
            yi = _RSQRT_MAGIC - lax.shift_right_logical(
                lax.bitcast_convert_type(vx, jnp.int32), 1)
            y = lax.bitcast_convert_type(yi, jnp.float32)
            for _ in range(3):
                y = y * (np.float32(1.5) - np.float32(0.5) * vx * y * y)
            for c, o in enumerate(_OFFS):
                out_ref[i, pl.ds(o, _LANES)] = (
                    ((xs[c] - mv) * y) * gammas[c] + betas[c])

        def do_chunk(k, in_ref, out_ref):
            lbase = lax.rem(k * _CHUNK, seq_len)

            def row_body(i, l):
                do_row(k, in_ref, out_ref, i, l)
                l2 = l + 1
                return jnp.where(l2 == seq_len, 0, l2)

            lax.fori_loop(0, _CHUNK, row_body, lbase)

        for b in range(_NBUF):
            gather_copy(b, b).start()

        def outer(j, carry):
            for b in range(_NBUF):
                k = j * _NBUF + b
                gather_copy(k, b).wait()

                @pl.when(j > 0)
                def _():
                    write_copy(k - _NBUF, b).wait()

                do_chunk(k, ins[b], outs[b])
                write_copy(k, b).start()

                @pl.when(j < nch // _NBUF - 1)
                def _():
                    gather_copy(k + _NBUF, b).start()
            return carry

        lax.fori_loop(0, nch // _NBUF, outer, np.int32(0))
        for b in range(_NBUF):
            write_copy(nch - _NBUF + b, b).wait()

    return ln_embed


def kernel(sen, table, pos_emb, gamma, beta):
    b, l = sen.shape
    vocab, dim = table.shape
    total = b * l
    per_w = total // _NW
    nch = per_w // _CHUNK
    pair_rows = (vocab - 1) // 2
    tab2 = table[: 2 * pair_rows].reshape(pair_rows, 2 * dim)
    last_row = table[vocab - 1]
    idxf = sen.reshape(-1).astype(jnp.int32)
    is_last = idxf == (vocab - 1)
    pidx = jnp.where(is_last, 0, lax.shift_right_logical(idxf, 1))
    aux = (idxf & 1) + 2 * is_last.astype(jnp.int32)
    pidx3 = pidx.reshape(_NW, nch, _CHUNK)
    aux3 = jnp.pad(aux.reshape(_NW, nch, _CHUNK), ((0, 0), (0, 0), (0, _LANES)))
    fn = _make_kernel(total, pair_rows, dim, l)
    out = fn(pidx3, aux3, tab2, last_row, pos_emb[:l], gamma, beta)
    return out.reshape(b, l, dim)

# --- scband reference (transcript-rebuilt; emitter-appended) ---
"""Pipeline reference for scband-embeddings-12034498363512 (READ-ONLY COPY).

The authoritative reference and input builder live on the scoring server;
editing this copy changes nothing except your own understanding.
"""

import jax, jax.numpy as jnp
import numpy as np

VOCAB = 289689
DIM = 100
MAXWORD = 512
B = 1024
L = 200


def setup_inputs(seed: int = 0) -> dict:
    key = jax.random.key(seed)
    k1, k2, k3 = jax.random.split(key, 3)
    sen = jax.random.randint(k1, (B, L), 0, VOCAB)
    table = jax.random.normal(k2, (VOCAB, DIM), dtype=jnp.float32) * 0.02
    pos_emb = jax.random.normal(k3, (MAXWORD, DIM), dtype=jnp.float32) * 0.02
    gamma = jnp.ones((DIM,), dtype=jnp.float32)
    beta = jnp.zeros((DIM,), dtype=jnp.float32)
    return {"sen": sen, "table": table, "pos_emb": pos_emb, "gamma": gamma, "beta": beta}


def reference(sen, table, pos_emb, gamma, beta):
    # word embedding lookup (SparseCore gather)
    sen_embed = jnp.take(table, sen, axis=0)  # [B, L, DIM]
    seq_length = sen.shape[1]
    x = sen_embed + pos_emb[:seq_length]  # broadcast add of position embeddings
    # LayerNormalization over last axis, epsilon=1e-6
    mean = jnp.mean(x, axis=-1, keepdims=True)
    var = jnp.var(x, axis=-1, keepdims=True)
    x_norm = (x - mean) / jnp.sqrt(var + 1e-6)
    out = x_norm * gamma + beta
    # Dropout is identity at inference
    return out

if __name__ == "__main__":
    import jax
    _d = setup_inputs()
    print(jax.jit(kernel)(*tuple(_d.values())))

</pallas_src>

<mosaic_0001>
#map = affine_map<(d0, d1) -> (0, 0, 0)>
#map1 = affine_map<(d0, d1) -> (0, 0)>
#map2 = affine_map<(d0, d1) -> (0)>
module attributes {stable_mosaic.version = 14 : i64} {
  func.func @ln_embed(%arg0: i32, %arg1: i32, %arg2: memref<32x50x128xi32, #tpu.memory_space<hbm>>, %arg3: memref<32x50x144xi32, #tpu.memory_space<hbm>>, %arg4: memref<144844x200xf32, #tpu.memory_space<hbm>>, %arg5: memref<100xf32, #tpu.memory_space<hbm>>, %arg6: memref<200x100xf32, #tpu.memory_space<hbm>>, %arg7: memref<100xf32, #tpu.memory_space<hbm>>, %arg8: memref<100xf32, #tpu.memory_space<hbm>>, %arg9: memref<204800x100xf32, #tpu.memory_space<hbm>>, %arg10: memref<50x128xi32, #tpu.memory_space<vmem>>, %arg11: memref<50x144xi32, #tpu.memory_space<vmem>>, %arg12: memref<200x100xf32, #tpu.memory_space<vmem>>, %arg13: memref<100xf32, #tpu.memory_space<vmem>>, %arg14: memref<100xf32, #tpu.memory_space<vmem>>, %arg15: memref<100xf32, #tpu.memory_space<vmem>>, %arg16: memref<128x200xf32, #tpu.memory_space<vmem>>, %arg17: memref<128x200xf32, #tpu.memory_space<vmem>>, %arg18: memref<128x100xf32, #tpu.memory_space<vmem>>, %arg19: memref<128x100xf32, #tpu.memory_space<vmem>>, %arg20: memref<!tpu.dma_semaphore, #tpu.memory_space<semaphore_mem>>, %arg21: memref<!tpu.dma_semaphore, #tpu.memory_space<semaphore_mem>>, %arg22: memref<!tpu.dma_semaphore, #tpu.memory_space<semaphore_mem>>, %arg23: memref<!tpu.dma_semaphore, #tpu.memory_space<semaphore_mem>>) attributes {dimension_semantics = [#tpu.dimension_semantics<core_parallel>, #tpu.dimension_semantics<subcore_parallel>], iteration_bounds = array<i64: 2, 16>, scalar_prefetch = 0 : i64, scratch_operands = 14 : i64, tpu.core_type = #tpu.core_type<sc_vector_subcore>, window_params = [{transform_indices = #map}, {transform_indices = #map}, {transform_indices = #map1}, {transform_indices = #map2}, {transform_indices = #map1}, {transform_indices = #map2}, {transform_indices = #map2}, {transform_indices = #map1}]} {
    %mul3A = arith.constant 2 : i32
    %mul3A_0 = arith.muli %arg1, %mul3A : i32
    %add3A = arith.addi %mul3A_0, %arg0 : i32
    "tpu.region"() ({
      %run_scoped3A = tpu.sem_alloc : memref<!tpu.dma_semaphore, #tpu.memory_space<semaphore_mem>>
      %dma_start3A_109 = arith.constant 0 : i32
      %dma_start3A_110 = arith.constant 0 : i32
      %dma_start3A_111 = tpu.memref_slice %arg2[%add3A, %dma_start3A_109, %dma_start3A_110] : memref<32x50x128xi32, #tpu.memory_space<hbm>> -> memref<1x50x128xi32, #tpu.memory_space<hbm>>
      %dma_start3A_112 = tpu.memref_squeeze %dma_start3A_111 : memref<1x50x128xi32, #tpu.memory_space<hbm>> -> memref<50x128xi32, #tpu.memory_space<hbm>>
      %dma_start3A_113 = arith.constant 0 : i32
      %dma_start3A_114 = arith.constant 0 : i32
      %dma_start3A_115 = tpu.memref_slice %arg2[%add3A, %dma_start3A_113, %dma_start3A_114] : memref<32x50x128xi32, #tpu.memory_space<hbm>> -> memref<1x50x128xi32, #tpu.memory_space<hbm>>
      %dma_start3A_116 = tpu.memref_squeeze %dma_start3A_115 : memref<1x50x128xi32, #tpu.memory_space<hbm>> -> memref<50x128xi32, #tpu.memory_space<hbm>>
      tpu.enqueue_dma source(%dma_start3A_116 : memref<50x128xi32, #tpu.memory_space<hbm>>) target(%arg10 : memref<50x128xi32, #tpu.memory_space<vmem>>) target_semaphore(%run_scoped3A : memref<!tpu.dma_semaphore, #tpu.memory_space<semaphore_mem>>)
      %dma_wait3A_117 = arith.constant 0 : i32
      %dma_wait3A_118 = arith.constant 0 : i32
      %dma_wait3A_119 = tpu.memref_slice %arg2[%add3A, %dma_wait3A_117, %dma_wait3A_118] : memref<32x50x128xi32, #tpu.memory_space<hbm>> -> memref<1x50x128xi32, #tpu.memory_space<hbm>>
      %dma_wait3A_120 = tpu.memref_squeeze %dma_wait3A_119 : memref<1x50x128xi32, #tpu.memory_space<hbm>> -> memref<50x128xi32, #tpu.memory_space<hbm>>
      %dma_wait3A_121 = arith.constant 0 : i32
      %dma_wait3A_122 = arith.constant 0 : i32
      %dma_wait3A_123 = tpu.memref_slice %arg2[%add3A, %dma_wait3A_121, %dma_wait3A_122] : memref<32x50x128xi32, #tpu.memory_space<hbm>> -> memref<1x50x128xi32, #tpu.memory_space<hbm>>
      %dma_wait3A_124 = tpu.memref_squeeze %dma_wait3A_123 : memref<1x50x128xi32, #tpu.memory_space<hbm>> -> memref<50x128xi32, #tpu.memory_space<hbm>>
      tpu.wait_dma2 semaphore(%run_scoped3A : memref<!tpu.dma_semaphore, #tpu.memory_space<semaphore_mem>>) src(%dma_wait3A_124 : memref<50x128xi32, #tpu.memory_space<hbm>>) dst(%arg10 : memref<50x128xi32, #tpu.memory_space<vmem>>)
      tpu.yield
    }) : () -> ()
    "tpu.region"() ({
      %run_scoped3A = tpu.sem_alloc : memref<!tpu.dma_semaphore, #tpu.memory_space<semaphore_mem>>
      %dma_start3A_109 = arith.constant 0 : i32
      %dma_start3A_110 = arith.constant 0 : i32
      %dma_start3A_111 = tpu.memref_slice %arg3[%add3A, %dma_start3A_109, %dma_start3A_110] : memref<32x50x144xi32, #tpu.memory_space<hbm>> -> memref<1x50x144xi32, #tpu.memory_space<hbm>>
      %dma_start3A_112 = tpu.memref_squeeze %dma_start3A_111 : memref<1x50x144xi32, #tpu.memory_space<hbm>> -> memref<50x144xi32, #tpu.memory_space<hbm>>
      %dma_start3A_113 = arith.constant 0 : i32
      %dma_start3A_114 = arith.constant 0 : i32
      %dma_start3A_115 = tpu.memref_slice %arg3[%add3A, %dma_start3A_113, %dma_start3A_114] : memref<32x50x144xi32, #tpu.memory_space<hbm>> -> memref<1x50x144xi32, #tpu.memory_space<hbm>>
      %dma_start3A_116 = tpu.memref_squeeze %dma_start3A_115 : memref<1x50x144xi32, #tpu.memory_space<hbm>> -> memref<50x144xi32, #tpu.memory_space<hbm>>
      tpu.enqueue_dma source(%dma_start3A_116 : memref<50x144xi32, #tpu.memory_space<hbm>>) target(%arg11 : memref<50x144xi32, #tpu.memory_space<vmem>>) target_semaphore(%run_scoped3A : memref<!tpu.dma_semaphore, #tpu.memory_space<semaphore_mem>>)
      %dma_wait3A_117 = arith.constant 0 : i32
      %dma_wait3A_118 = arith.constant 0 : i32
      %dma_wait3A_119 = tpu.memref_slice %arg3[%add3A, %dma_wait3A_117, %dma_wait3A_118] : memref<32x50x144xi32, #tpu.memory_space<hbm>> -> memref<1x50x144xi32, #tpu.memory_space<hbm>>
      %dma_wait3A_120 = tpu.memref_squeeze %dma_wait3A_119 : memref<1x50x144xi32, #tpu.memory_space<hbm>> -> memref<50x144xi32, #tpu.memory_space<hbm>>
      %dma_wait3A_121 = arith.constant 0 : i32
      %dma_wait3A_122 = arith.constant 0 : i32
      %dma_wait3A_123 = tpu.memref_slice %arg3[%add3A, %dma_wait3A_121, %dma_wait3A_122] : memref<32x50x144xi32, #tpu.memory_space<hbm>> -> memref<1x50x144xi32, #tpu.memory_space<hbm>>
      %dma_wait3A_124 = tpu.memref_squeeze %dma_wait3A_123 : memref<1x50x144xi32, #tpu.memory_space<hbm>> -> memref<50x144xi32, #tpu.memory_space<hbm>>
      tpu.wait_dma2 semaphore(%run_scoped3A : memref<!tpu.dma_semaphore, #tpu.memory_space<semaphore_mem>>) src(%dma_wait3A_124 : memref<50x144xi32, #tpu.memory_space<hbm>>) dst(%arg11 : memref<50x144xi32, #tpu.memory_space<vmem>>)
      tpu.yield
    }) : () -> ()
    "tpu.region"() ({
      %run_scoped3A = tpu.sem_alloc : memref<!tpu.dma_semaphore, #tpu.memory_space<semaphore_mem>>
      tpu.enqueue_dma source(%arg6 : memref<200x100xf32, #tpu.memory_space<hbm>>) target(%arg12 : memref<200x100xf32, #tpu.memory_space<vmem>>) target_semaphore(%run_scoped3A : memref<!tpu.dma_semaphore, #tpu.memory_space<semaphore_mem>>)
      tpu.wait_dma2 semaphore(%run_scoped3A : memref<!tpu.dma_semaphore, #tpu.memory_space<semaphore_mem>>) src(%arg6 : memref<200x100xf32, #tpu.memory_space<hbm>>) dst(%arg12 : memref<200x100xf32, #tpu.memory_space<vmem>>)
      tpu.yield
    }) : () -> ()
    "tpu.region"() ({
      %run_scoped3A = tpu.sem_alloc : memref<!tpu.dma_semaphore, #tpu.memory_space<semaphore_mem>>
      tpu.enqueue_dma source(%arg7 : memref<100xf32, #tpu.memory_space<hbm>>) target(%arg13 : memref<100xf32, #tpu.memory_space<vmem>>) target_semaphore(%run_scoped3A : memref<!tpu.dma_semaphore, #tpu.memory_space<semaphore_mem>>)
      tpu.wait_dma2 semaphore(%run_scoped3A : memref<!tpu.dma_semaphore, #tpu.memory_space<semaphore_mem>>) src(%arg7 : memref<100xf32, #tpu.memory_space<hbm>>) dst(%arg13 : memref<100xf32, #tpu.memory_space<vmem>>)
      tpu.yield
    }) : () -> ()
    "tpu.region"() ({
      %run_scoped3A = tpu.sem_alloc : memref<!tpu.dma_semaphore, #tpu.memory_space<semaphore_mem>>
      tpu.enqueue_dma source(%arg8 : memref<100xf32, #tpu.memory_space<hbm>>) target(%arg14 : memref<100xf32, #tpu.memory_space<vmem>>) target_semaphore(%run_scoped3A : memref<!tpu.dma_semaphore, #tpu.memory_space<semaphore_mem>>)
      tpu.wait_dma2 semaphore(%run_scoped3A : memref<!tpu.dma_semaphore, #tpu.memory_space<semaphore_mem>>) src(%arg8 : memref<100xf32, #tpu.memory_space<hbm>>) dst(%arg14 : memref<100xf32, #tpu.memory_space<vmem>>)
      tpu.yield
    }) : () -> ()
    "tpu.region"() ({
      %run_scoped3A = tpu.sem_alloc : memref<!tpu.dma_semaphore, #tpu.memory_space<semaphore_mem>>
      tpu.enqueue_dma source(%arg5 : memref<100xf32, #tpu.memory_space<hbm>>) target(%arg15 : memref<100xf32, #tpu.memory_space<vmem>>) target_semaphore(%run_scoped3A : memref<!tpu.dma_semaphore, #tpu.memory_space<semaphore_mem>>)
      tpu.wait_dma2 semaphore(%run_scoped3A : memref<!tpu.dma_semaphore, #tpu.memory_space<semaphore_mem>>) src(%arg5 : memref<100xf32, #tpu.memory_space<hbm>>) dst(%arg15 : memref<100xf32, #tpu.memory_space<vmem>>)
      tpu.yield
    }) : () -> ()
    %iota3A = tpu.iota {dimensions = array<i32: 0>} : vector<16xi32>
    %ge3A = arith.constant 12 : i32
    %ge3A_1 = vector.broadcast %ge3A : i32 to vector<16xi32>
    %ge3A_2 = arith.cmpi sge, %iota3A, %ge3A_1 : vector<16xi32>
    %xor3A = arith.constant 8 : i32
    %xor3A_3 = vector.broadcast %xor3A : i32 to vector<16xi32>
    %xor3A_4 = arith.xori %iota3A, %xor3A_3 : vector<16xi32>
    %xor3A_5 = arith.constant 4 : i32
    %xor3A_6 = vector.broadcast %xor3A_5 : i32 to vector<16xi32>
    %xor3A_7 = arith.xori %iota3A, %xor3A_6 : vector<16xi32>
    %xor3A_8 = arith.constant 2 : i32
    %xor3A_9 = vector.broadcast %xor3A_8 : i32 to vector<16xi32>
    %xor3A_10 = arith.xori %iota3A, %xor3A_9 : vector<16xi32>
    %xor3A_11 = arith.constant 1 : i32
    %xor3A_12 = vector.broadcast %xor3A_11 : i32 to vector<16xi32>
    %xor3A_13 = arith.xori %iota3A, %xor3A_12 : vector<16xi32>
    %get3A = arith.constant 0 : index
    %get3A_14 = tpu.vector_load %arg13[%get3A] {strides = array<i32>} : memref<100xf32, #tpu.memory_space<vmem>>, vector<16xf32>,
    %get3A_15 = vector.shape_cast %get3A_14 : vector<16xf32> to vector<16xf32>
    %get3A_16 = arith.constant 16 : index
    %get3A_17 = tpu.vector_load %arg13[%get3A_16] {strides = array<i32>} : memref<100xf32, #tpu.memory_space<vmem>>, vector<16xf32>,
    %get3A_18 = vector.shape_cast %get3A_17 : vector<16xf32> to vector<16xf32>
    %get3A_19 = arith.constant 32 : index
    %get3A_20 = tpu.vector_load %arg13[%get3A_19] {strides = array<i32>} : memref<100xf32, #tpu.memory_space<vmem>>, vector<16xf32>,
    %get3A_21 = vector.shape_cast %get3A_20 : vector<16xf32> to vector<16xf32>
    %get3A_22 = arith.constant 48 : index
    %get3A_23 = tpu.vector_load %arg13[%get3A_22] {strides = array<i32>} : memref<100xf32, #tpu.memory_space<vmem>>, vector<16xf32>,
    %get3A_24 = vector.shape_cast %get3A_23 : vector<16xf32> to vector<16xf32>
    %get3A_25 = arith.constant 64 : index
    %get3A_26 = tpu.vector_load %arg13[%get3A_25] {strides = array<i32>} : memref<100xf32, #tpu.memory_space<vmem>>, vector<16xf32>,
    %get3A_27 = vector.shape_cast %get3A_26 : vector<16xf32> to vector<16xf32>
    %get3A_28 = arith.constant 80 : index
    %get3A_29 = tpu.vector_load %arg13[%get3A_28] {strides = array<i32>} : memref<100xf32, #tpu.memory_space<vmem>>, vector<16xf32>,
    %get3A_30 = vector.shape_cast %get3A_29 : vector<16xf32> to vector<16xf32>
    %get3A_31 = arith.constant 84 : index
    %get3A_32 = tpu.vector_load %arg13[%get3A_31] {strides = array<i32>} : memref<100xf32, #tpu.memory_space<vmem>>, vector<16xf32>,
    %get3A_33 = vector.shape_cast %get3A_32 : vector<16xf32> to vector<16xf32>
    %get3A_34 = arith.constant 0 : index
    %get3A_35 = tpu.vector_load %arg14[%get3A_34] {strides = array<i32>} : memref<100xf32, #tpu.memory_space<vmem>>, vector<16xf32>,
    %get3A_36 = vector.shape_cast %get3A_35 : vector<16xf32> to vector<16xf32>
    %get3A_37 = arith.constant 16 : index
    %get3A_38 = tpu.vector_load %arg14[%get3A_37] {strides = array<i32>} : memref<100xf32, #tpu.memory_space<vmem>>, vector<16xf32>,
    %get3A_39 = vector.shape_cast %get3A_38 : vector<16xf32> to vector<16xf32>
    %get3A_40 = arith.constant 32 : index
    %get3A_41 = tpu.vector_load %arg14[%get3A_40] {strides = array<i32>} : memref<100xf32, #tpu.memory_space<vmem>>, vector<16xf32>,
    %get3A_42 = vector.shape_cast %get3A_41 : vector<16xf32> to vector<16xf32>
    %get3A_43 = arith.constant 48 : index
    %get3A_44 = tpu.vector_load %arg14[%get3A_43] {strides = array<i32>} : memref<100xf32, #tpu.memory_space<vmem>>, vector<16xf32>,
    %get3A_45 = vector.shape_cast %get3A_44 : vector<16xf32> to vector<16xf32>
    %get3A_46 = arith.constant 64 : index
    %get3A_47 = tpu.vector_load %arg14[%get3A_46] {strides = array<i32>} : memref<100xf32, #tpu.memory_space<vmem>>, vector<16xf32>,
    %get3A_48 = vector.shape_cast %get3A_47 : vector<16xf32> to vector<16xf32>
    %get3A_49 = arith.constant 80 : index
    %get3A_50 = tpu.vector_load %arg14[%get3A_49] {strides = array<i32>} : memref<100xf32, #tpu.memory_space<vmem>>, vector<16xf32>,
    %get3A_51 = vector.shape_cast %get3A_50 : vector<16xf32> to vector<16xf32>
    %get3A_52 = arith.constant 84 : index
    %get3A_53 = tpu.vector_load %arg14[%get3A_52] {strides = array<i32>} : memref<100xf32, #tpu.memory_space<vmem>>, vector<16xf32>,
    %get3A_54 = vector.shape_cast %get3A_53 : vector<16xf32> to vector<16xf32>
    %get3A_55 = arith.constant 0 : index
    %get3A_56 = tpu.vector_load %arg15[%get3A_55] {strides = array<i32>} : memref<100xf32, #tpu.memory_space<vmem>>, vector<16xf32>,
    %get3A_57 = vector.shape_cast %get3A_56 : vector<16xf32> to vector<16xf32>
    %get3A_58 = arith.constant 16 : index
    %get3A_59 = tpu.vector_load %arg15[%get3A_58] {strides = array<i32>} : memref<100xf32, #tpu.memory_space<vmem>>, vector<16xf32>,
    %get3A_60 = vector.shape_cast %get3A_59 : vector<16xf32> to vector<16xf32>
    %get3A_61 = arith.constant 32 : index
    %get3A_62 = tpu.vector_load %arg15[%get3A_61] {strides = array<i32>} : memref<100xf32, #tpu.memory_space<vmem>>, vector<16xf32>,
    %get3A_63 = vector.shape_cast %get3A_62 : vector<16xf32> to vector<16xf32>
    %get3A_64 = arith.constant 48 : index
    %get3A_65 = tpu.vector_load %arg15[%get3A_64] {strides = array<i32>} : memref<100xf32, #tpu.memory_space<vmem>>, vector<16xf32>,
    %get3A_66 = vector.shape_cast %get3A_65 : vector<16xf32> to vector<16xf32>
    %get3A_67 = arith.constant 64 : index
    %get3A_68 = tpu.vector_load %arg15[%get3A_67] {strides = array<i32>} : memref<100xf32, #tpu.memory_space<vmem>>, vector<16xf32>,
    %get3A_69 = vector.shape_cast %get3A_68 : vector<16xf32> to vector<16xf32>
    %get3A_70 = arith.constant 80 : index
    %get3A_71 = tpu.vector_load %arg15[%get3A_70] {strides = array<i32>} : memref<100xf32, #tpu.memory_space<vmem>>, vector<16xf32>,
    %get3A_72 = vector.shape_cast %get3A_71 : vector<16xf32> to vector<16xf32>
    %get3A_73 = arith.constant 84 : index
    %get3A_74 = tpu.vector_load %arg15[%get3A_73] {strides = array<i32>} : memref<100xf32, #tpu.memory_space<vmem>>, vector<16xf32>,
    %get3A_75 = vector.shape_cast %get3A_74 : vector<16xf32> to vector<16xf32>
    %dma_start3A = arith.constant 0 : i32
    %dma_start3A_76 = arith.constant 0 : i32
    %dma_start3A_77 = tpu.memref_slice %arg10[%dma_start3A, %dma_start3A_76] : memref<50x128xi32, #tpu.memory_space<vmem>> -> memref<1x128xi32, #tpu.memory_space<vmem>>
    %dma_start3A_78 = tpu.memref_squeeze %dma_start3A_77 : memref<1x128xi32, #tpu.memory_space<vmem>> -> memref<128xi32, #tpu.memory_space<vmem>>
    %dma_start3A_79 = arith.constant 0 : i32
    %dma_start3A_80 = arith.constant 0 : i32
    %dma_start3A_81 = tpu.memref_slice %arg4[%dma_start3A_79, %dma_start3A_80] : memref<144844x200xf32, #tpu.memory_space<hbm>> -> memref<144844x200xf32, #tpu.memory_space<hbm>>
    tpu.enqueue_indirect_dma source(%dma_start3A_81 : memref<144844x200xf32, #tpu.memory_space<hbm>>) target(%arg16 : memref<128x200xf32, #tpu.memory_space<vmem>>) offsets(%dma_start3A_78 : memref<128xi32, #tpu.memory_space<vmem>>) semaphore(%arg20 : memref<!tpu.dma_semaphore, #tpu.memory_space<semaphore_mem>>)
    %dma_start3A_82 = arith.constant 1 : i32
    %dma_start3A_83 = arith.constant 0 : i32
    %dma_start3A_84 = tpu.memref_slice %arg10[%dma_start3A_82, %dma_start3A_83] : memref<50x128xi32, #tpu.memory_space<vmem>> -> memref<1x128xi32, #tpu.memory_space<vmem>>
    %dma_start3A_85 = tpu.memref_squeeze %dma_start3A_84 : memref<1x128xi32, #tpu.memory_space<vmem>> -> memref<128xi32, #tpu.memory_space<vmem>>
    %dma_start3A_86 = arith.constant 0 : i32
    %dma_start3A_87 = arith.constant 0 : i32
    %dma_start3A_88 = tpu.memref_slice %arg4[%dma_start3A_86, %dma_start3A_87] : memref<144844x200xf32, #tpu.memory_space<hbm>> -> memref<144844x200xf32, #tpu.memory_space<hbm>>
    tpu.enqueue_indirect_dma source(%dma_start3A_88 : memref<144844x200xf32, #tpu.memory_space<hbm>>) target(%arg17 : memref<128x200xf32, #tpu.memory_space<vmem>>) offsets(%dma_start3A_85 : memref<128xi32, #tpu.memory_space<vmem>>) semaphore(%arg21 : memref<!tpu.dma_semaphore, #tpu.memory_space<semaphore_mem>>)
    %scan3A = arith.constant 0 : i32
    %scan3A_89 = arith.constant 0 : i32
    %scan3A_90 = arith.constant 25 : i32
    %scan3A_91 = arith.addi %scan3A_89, %scan3A_90 : i32
    %scan3A_92 = arith.constant 1 : i32
    scf.for %scan3A_109 = %scan3A_89 to %scan3A_91 step %scan3A_92  : i32 {
      %mul3A_110 = arith.constant 2 : i32
      %mul3A_111 = arith.muli %scan3A_109, %mul3A_110 : i32
      %add3A_112 = arith.constant 0 : i32
      %add3A_113 = arith.addi %mul3A_111, %add3A_112 : i32
      %dma_wait3A_114 = arith.constant 0 : i32
      %dma_wait3A_115 = tpu.memref_slice %arg10[%add3A_113, %dma_wait3A_114] : memref<50x128xi32, #tpu.memory_space<vmem>> -> memref<1x128xi32, #tpu.memory_space<vmem>>
      %dma_wait3A_116 = tpu.memref_squeeze %dma_wait3A_115 : memref<1x128xi32, #tpu.memory_space<vmem>> -> memref<128xi32, #tpu.memory_space<vmem>>
      %dma_wait3A_117 = arith.constant 0 : i32
      %dma_wait3A_118 = arith.constant 0 : i32
      %dma_wait3A_119 = tpu.memref_slice %arg4[%dma_wait3A_117, %dma_wait3A_118] : memref<144844x200xf32, #tpu.memory_space<hbm>> -> memref<144844x200xf32, #tpu.memory_space<hbm>>
      tpu.wait_indirect_dma semaphore(%arg20 : memref<!tpu.dma_semaphore, #tpu.memory_space<semaphore_mem>>) src(%dma_wait3A_119 : memref<144844x200xf32, #tpu.memory_space<hbm>>) dst(%arg16 : memref<128x200xf32, #tpu.memory_space<vmem>>)
      %gt3A = arith.constant 0 : i32
      %gt3A_120 = arith.cmpi sgt, %scan3A_109, %gt3A : i32
      %convert_element_type3A = arith.extui %gt3A_120 : i1 to i32
      %cond3A = arith.constant 0 : i32
      %cond3A_121 = arith.cmpi ne, %convert_element_type3A, %cond3A : i32
      scf.if %cond3A_121 {
        %sub3A = arith.constant 2 : i32
        %sub3A_183 = arith.subi %add3A_113, %sub3A : i32
        %mul3A_184 = arith.constant 6400 : i32
        %mul3A_185 = arith.muli %add3A, %mul3A_184 : i32
        %mul3A_186 = arith.constant 128 : i32
        %mul3A_187 = arith.muli %sub3A_183, %mul3A_186 : i32
        %add3A_188 = arith.addi %mul3A_185, %mul3A_187 : i32
        %dma_wait3A_189 = arith.constant 0 : i32
        %dma_wait3A_190 = tpu.memref_slice %arg9[%add3A_188, %dma_wait3A_189] : memref<204800x100xf32, #tpu.memory_space<hbm>> -> memref<128x100xf32, #tpu.memory_space<hbm>>
        %dma_wait3A_191 = arith.constant 0 : i32
        %dma_wait3A_192 = tpu.memref_slice %arg9[%add3A_188, %dma_wait3A_191] : memref<204800x100xf32, #tpu.memory_space<hbm>> -> memref<128x100xf32, #tpu.memory_space<hbm>>
        tpu.wait_dma2 semaphore(%arg22 : memref<!tpu.dma_semaphore, #tpu.memory_space<semaphore_mem>>) src(%arg18 : memref<128x100xf32, #tpu.memory_space<vmem>>) dst(%dma_wait3A_192 : memref<128x100xf32, #tpu.memory_space<hbm>>)
      } else {
      }
      %mul3A_122 = arith.constant 128 : i32
      %mul3A_123 = arith.muli %add3A_113, %mul3A_122 : i32
      %rem3A = arith.constant 200 : i32
      %rem3A_124 = arith.remsi %mul3A_123, %rem3A : i32
      %scan3A_125 = arith.constant 0 : i32
      %scan3A_126 = arith.constant 128 : i32
      %scan3A_127 = arith.addi %scan3A_125, %scan3A_126 : i32
      %scan3A_128 = arith.constant 1 : i32
      %scan3A_129 = scf.for %scan3A_183 = %scan3A_125 to %scan3A_127 step %scan3A_128 iter_args(%scan3A_184 = %rem3A_124) -> (i32)  : i32 {
        %get3A_185 = arith.index_cast %add3A_113 : i32 to index
        %get3A_186 = arith.index_cast %scan3A_183 : i32 to index
        %get3A_187 = tpu.vector_load %arg11[%get3A_185, %get3A_186] {strides = array<i32>} : memref<50x144xi32, #tpu.memory_space<vmem>>, vector<1x16xi32>,
        %get3A_188 = vector.shape_cast %get3A_187 : vector<1x16xi32> to vector<16xi32>
        %slice3A = vector.extract_strided_slice %get3A_188 {offsets = [0], sizes = [1], strides = [1]} : vector<16xi32> to vector<1xi32>
        %squeeze3A = vector.extract %slice3A[0] : i32 from vector<1xi32>
        %and3A = arith.constant 1 : i32
        %and3A_189 = arith.andi %squeeze3A, %and3A : i32
        %mul3A_190 = arith.constant 100 : i32
        %mul3A_191 = arith.muli %and3A_189, %mul3A_190 : i32
        %ge3A_192 = arith.constant 2 : i32
        %ge3A_193 = arith.cmpi sge, %squeeze3A, %ge3A_192 : i32
        %add3A_194 = arith.constant 0 : i32
        %add3A_195 = arith.addi %mul3A_191, %add3A_194 : i32
        %get3A_196 = arith.index_cast %scan3A_183 : i32 to index
        %get3A_197 = arith.index_cast %add3A_195 : i32 to index
        %get3A_198 = tpu.vector_load %arg16[%get3A_196, %get3A_197] {strides = array<i32>} : memref<128x200xf32, #tpu.memory_space<vmem>>, vector<1x16xf32>,
        %get3A_199 = vector.shape_cast %get3A_198 : vector<1x16xf32> to vector<16xf32>
        %select_n3A = arith.select %ge3A_193, %get3A_57, %get3A_199 : vector<16xf32>
        %get3A_200 = arith.index_cast %scan3A_184 : i32 to index
        %get3A_201 = arith.constant 0 : index
        %get3A_202 = tpu.vector_load %arg12[%get3A_200, %get3A_201] {strides = array<i32>} : memref<200x100xf32, #tpu.memory_space<vmem>>, vector<1x16xf32>,
        %get3A_203 = vector.shape_cast %get3A_202 : vector<1x16xf32> to vector<16xf32>
        %add3A_204 = arith.addf %select_n3A, %get3A_203 : vector<16xf32>
        %add3A_205 = arith.constant 16 : i32
        %add3A_206 = arith.addi %mul3A_191, %add3A_205 : i32
        %get3A_207 = arith.index_cast %scan3A_183 : i32 to index
        %get3A_208 = arith.index_cast %add3A_206 : i32 to index
        %get3A_209 = tpu.vector_load %arg16[%get3A_207, %get3A_208] {strides = array<i32>} : memref<128x200xf32, #tpu.memory_space<vmem>>, vector<1x16xf32>,
        %get3A_210 = vector.shape_cast %get3A_209 : vector<1x16xf32> to vector<16xf32>
        %select_n3A_211 = arith.select %ge3A_193, %get3A_60, %get3A_210 : vector<16xf32>
        %get3A_212 = arith.index_cast %scan3A_184 : i32 to index
        %get3A_213 = arith.constant 16 : index
        %get3A_214 = tpu.vector_load %arg12[%get3A_212, %get3A_213] {strides = array<i32>} : memref<200x100xf32, #tpu.memory_space<vmem>>, vector<1x16xf32>,
        %get3A_215 = vector.shape_cast %get3A_214 : vector<1x16xf32> to vector<16xf32>
        %add3A_216 = arith.addf %select_n3A_211, %get3A_215 : vector<16xf32>
        %add3A_217 = arith.constant 32 : i32
        %add3A_218 = arith.addi %mul3A_191, %add3A_217 : i32
        %get3A_219 = arith.index_cast %scan3A_183 : i32 to index
        %get3A_220 = arith.index_cast %add3A_218 : i32 to index
        %get3A_221 = tpu.vector_load %arg16[%get3A_219, %get3A_220] {strides = array<i32>} : memref<128x200xf32, #tpu.memory_space<vmem>>, vector<1x16xf32>,
        %get3A_222 = vector.shape_cast %get3A_221 : vector<1x16xf32> to vector<16xf32>
        %select_n3A_223 = arith.select %ge3A_193, %get3A_63, %get3A_222 : vector<16xf32>
        %get3A_224 = arith.index_cast %scan3A_184 : i32 to index
        %get3A_225 = arith.constant 32 : index
        %get3A_226 = tpu.vector_load %arg12[%get3A_224, %get3A_225] {strides = array<i32>} : memref<200x100xf32, #tpu.memory_space<vmem>>, vector<1x16xf32>,
        %get3A_227 = vector.shape_cast %get3A_226 : vector<1x16xf32> to vector<16xf32>
        %add3A_228 = arith.addf %select_n3A_223, %get3A_227 : vector<16xf32>
        %add3A_229 = arith.constant 48 : i32
        %add3A_230 = arith.addi %mul3A_191, %add3A_229 : i32
        %get3A_231 = arith.index_cast %scan3A_183 : i32 to index
        %get3A_232 = arith.index_cast %add3A_230 : i32 to index
        %get3A_233 = tpu.vector_load %arg16[%get3A_231, %get3A_232] {strides = array<i32>} : memref<128x200xf32, #tpu.memory_space<vmem>>, vector<1x16xf32>,
        %get3A_234 = vector.shape_cast %get3A_233 : vector<1x16xf32> to vector<16xf32>
        %select_n3A_235 = arith.select %ge3A_193, %get3A_66, %get3A_234 : vector<16xf32>
        %get3A_236 = arith.index_cast %scan3A_184 : i32 to index
        %get3A_237 = arith.constant 48 : index
        %get3A_238 = tpu.vector_load %arg12[%get3A_236, %get3A_237] {strides = array<i32>} : memref<200x100xf32, #tpu.memory_space<vmem>>, vector<1x16xf32>,
        %get3A_239 = vector.shape_cast %get3A_238 : vector<1x16xf32> to vector<16xf32>
        %add3A_240 = arith.addf %select_n3A_235, %get3A_239 : vector<16xf32>
        %add3A_241 = arith.constant 64 : i32
        %add3A_242 = arith.addi %mul3A_191, %add3A_241 : i32
        %get3A_243 = arith.index_cast %scan3A_183 : i32 to index
        %get3A_244 = arith.index_cast %add3A_242 : i32 to index
        %get3A_245 = tpu.vector_load %arg16[%get3A_243, %get3A_244] {strides = array<i32>} : memref<128x200xf32, #tpu.memory_space<vmem>>, vector<1x16xf32>,
        %get3A_246 = vector.shape_cast %get3A_245 : vector<1x16xf32> to vector<16xf32>
        %select_n3A_247 = arith.select %ge3A_193, %get3A_69, %get3A_246 : vector<16xf32>
        %get3A_248 = arith.index_cast %scan3A_184 : i32 to index
        %get3A_249 = arith.constant 64 : index
        %get3A_250 = tpu.vector_load %arg12[%get3A_248, %get3A_249] {strides = array<i32>} : memref<200x100xf32, #tpu.memory_space<vmem>>, vector<1x16xf32>,
        %get3A_251 = vector.shape_cast %get3A_250 : vector<1x16xf32> to vector<16xf32>
        %add3A_252 = arith.addf %select_n3A_247, %get3A_251 : vector<16xf32>
        %add3A_253 = arith.constant 80 : i32
        %add3A_254 = arith.addi %mul3A_191, %add3A_253 : i32
        %get3A_255 = arith.index_cast %scan3A_183 : i32 to index
        %get3A_256 = arith.index_cast %add3A_254 : i32 to index
        %get3A_257 = tpu.vector_load %arg16[%get3A_255, %get3A_256] {strides = array<i32>} : memref<128x200xf32, #tpu.memory_space<vmem>>, vector<1x16xf32>,
        %get3A_258 = vector.shape_cast %get3A_257 : vector<1x16xf32> to vector<16xf32>
        %select_n3A_259 = arith.select %ge3A_193, %get3A_72, %get3A_258 : vector<16xf32>
        %get3A_260 = arith.index_cast %scan3A_184 : i32 to index
        %get3A_261 = arith.constant 80 : index
        %get3A_262 = tpu.vector_load %arg12[%get3A_260, %get3A_261] {strides = array<i32>} : memref<200x100xf32, #tpu.memory_space<vmem>>, vector<1x16xf32>,
        %get3A_263 = vector.shape_cast %get3A_262 : vector<1x16xf32> to vector<16xf32>
        %add3A_264 = arith.addf %select_n3A_259, %get3A_263 : vector<16xf32>
        %add3A_265 = arith.constant 84 : i32
        %add3A_266 = arith.addi %mul3A_191, %add3A_265 : i32
        %get3A_267 = arith.index_cast %scan3A_183 : i32 to index
        %get3A_268 = arith.index_cast %add3A_266 : i32 to index
        %get3A_269 = tpu.vector_load %arg16[%get3A_267, %get3A_268] {strides = array<i32>} : memref<128x200xf32, #tpu.memory_space<vmem>>, vector<1x16xf32>,
        %get3A_270 = vector.shape_cast %get3A_269 : vector<1x16xf32> to vector<16xf32>
        %select_n3A_271 = arith.select %ge3A_193, %get3A_75, %get3A_270 : vector<16xf32>
        %get3A_272 = arith.index_cast %scan3A_184 : i32 to index
        %get3A_273 = arith.constant 84 : index
        %get3A_274 = tpu.vector_load %arg12[%get3A_272, %get3A_273] {strides = array<i32>} : memref<200x100xf32, #tpu.memory_space<vmem>>, vector<1x16xf32>,
        %get3A_275 = vector.shape_cast %get3A_274 : vector<1x16xf32> to vector<16xf32>
        %add3A_276 = arith.addf %select_n3A_271, %get3A_275 : vector<16xf32>
        %jit3A = arith.constant 0.000000e+00 : f32
        %broadcast_in_dim3A = vector.broadcast %jit3A : f32 to vector<16xf32>
        %select_n3A_277 = arith.select %ge3A_2, %add3A_276, %broadcast_in_dim3A : vector<16xi1>, vector<16xf32>
        %add3A_278 = arith.addf %add3A_204, %add3A_216 : vector<16xf32>
        %add3A_279 = arith.addf %add3A_228, %add3A_240 : vector<16xf32>
        %add3A_280 = arith.addf %add3A_278, %add3A_279 : vector<16xf32>
        %add3A_281 = arith.addf %add3A_252, %add3A_264 : vector<16xf32>
        %add3A_282 = arith.addf %add3A_281, %select_n3A_277 : vector<16xf32>
        %add3A_283 = arith.addf %add3A_280, %add3A_282 : vector<16xf32>
        %mul3A_284 = arith.mulf %add3A_204, %add3A_204 : vector<16xf32>
        %mul3A_285 = arith.mulf %add3A_216, %add3A_216 : vector<16xf32>
        %mul3A_286 = arith.mulf %add3A_228, %add3A_228 : vector<16xf32>
        %mul3A_287 = arith.mulf %add3A_240, %add3A_240 : vector<16xf32>
        %mul3A_288 = arith.mulf %add3A_252, %add3A_252 : vector<16xf32>
        %mul3A_289 = arith.mulf %add3A_264, %add3A_264 : vector<16xf32>
        %mul3A_290 = arith.mulf %select_n3A_277, %select_n3A_277 : vector<16xf32>
        %add3A_291 = arith.addf %mul3A_284, %mul3A_285 : vector<16xf32>
        %add3A_292 = arith.addf %mul3A_286, %mul3A_287 : vector<16xf32>
        %add3A_293 = arith.addf %add3A_291, %add3A_292 : vector<16xf32>
        %add3A_294 = arith.addf %mul3A_288, %mul3A_289 : vector<16xf32>
        %add3A_295 = arith.addf %add3A_294, %mul3A_290 : vector<16xf32>
        %add3A_296 = arith.addf %add3A_293, %add3A_295 : vector<16xf32>
        %lt3A_297 = arith.constant 0 : i32
        %lt3A_298 = vector.broadcast %lt3A_297 : i32 to vector<16xi32>
        %lt3A_299 = arith.cmpi slt, %xor3A_4, %lt3A_298 : vector<16xi32>
        %add3A_300 = arith.constant 16 : i32
        %add3A_301 = vector.broadcast %add3A_300 : i32 to vector<16xi32>
        %add3A_302 = arith.addi %xor3A_4, %add3A_301 : vector<16xi32>
        %select_n3A_303 = arith.select %lt3A_299, %add3A_302, %xor3A_4 : vector<16xi1>, vector<16xi32>
        %broadcast_in_dim3A_304 = vector.shape_cast %select_n3A_303 : vector<16xi32> to vector<16x1xi32>
        %gather3A = vector.shape_cast %broadcast_in_dim3A_304 : vector<16x1xi32> to vector<16xi32>
        %gather3A_305 = tpu.dynamic_gather %add3A_283[%gather3A] in [0] : vector<16xf32>, vector<16xi32> -> vector<16xf32>
        %add3A_306 = arith.addf %add3A_283, %gather3A_305 : vector<16xf32>
        %lt3A_307 = arith.constant 0 : i32
        %lt3A_308 = vector.broadcast %lt3A_307 : i32 to vector<16xi32>
        %lt3A_309 = arith.cmpi slt, %xor3A_7, %lt3A_308 : vector<16xi32>
        %add3A_310 = arith.constant 16 : i32
        %add3A_311 = vector.broadcast %add3A_310 : i32 to vector<16xi32>
        %add3A_312 = arith.addi %xor3A_7, %add3A_311 : vector<16xi32>
        %select_n3A_313 = arith.select %lt3A_309, %add3A_312, %xor3A_7 : vector<16xi1>, vector<16xi32>
        %broadcast_in_dim3A_314 = vector.shape_cast %select_n3A_313 : vector<16xi32> to vector<16x1xi32>
        %gather3A_315 = vector.shape_cast %broadcast_in_dim3A_314 : vector<16x1xi32> to vector<16xi32>
        %gather3A_316 = tpu.dynamic_gather %add3A_306[%gather3A_315] in [0] : vector<16xf32>, vector<16xi32> -> vector<16xf32>
        %add3A_317 = arith.addf %add3A_306, %gather3A_316 : vector<16xf32>
        %lt3A_318 = arith.constant 0 : i32
        %lt3A_319 = vector.broadcast %lt3A_318 : i32 to vector<16xi32>
        %lt3A_320 = arith.cmpi slt, %xor3A_10, %lt3A_319 : vector<16xi32>
        %add3A_321 = arith.constant 16 : i32
        %add3A_322 = vector.broadcast %add3A_321 : i32 to vector<16xi32>
        %add3A_323 = arith.addi %xor3A_10, %add3A_322 : vector<16xi32>
        %select_n3A_324 = arith.select %lt3A_320, %add3A_323, %xor3A_10 : vector<16xi1>, vector<16xi32>
        %broadcast_in_dim3A_325 = vector.shape_cast %select_n3A_324 : vector<16xi32> to vector<16x1xi32>
        %gather3A_326 = vector.shape_cast %broadcast_in_dim3A_325 : vector<16x1xi32> to vector<16xi32>
        %gather3A_327 = tpu.dynamic_gather %add3A_317[%gather3A_326] in [0] : vector<16xf32>, vector<16xi32> -> vector<16xf32>
        %add3A_328 = arith.addf %add3A_317, %gather3A_327 : vector<16xf32>
        %lt3A_329 = arith.constant 0 : i32
        %lt3A_330 = vector.broadcast %lt3A_329 : i32 to vector<16xi32>
        %lt3A_331 = arith.cmpi slt, %xor3A_13, %lt3A_330 : vector<16xi32>
        %add3A_332 = arith.constant 16 : i32
        %add3A_333 = vector.broadcast %add3A_332 : i32 to vector<16xi32>
        %add3A_334 = arith.addi %xor3A_13, %add3A_333 : vector<16xi32>
        %select_n3A_335 = arith.select %lt3A_331, %add3A_334, %xor3A_13 : vector<16xi1>, vector<16xi32>
        %broadcast_in_dim3A_336 = vector.shape_cast %select_n3A_335 : vector<16xi32> to vector<16x1xi32>
        %gather3A_337 = vector.shape_cast %broadcast_in_dim3A_336 : vector<16x1xi32> to vector<16xi32>
        %gather3A_338 = tpu.dynamic_gather %add3A_328[%gather3A_337] in [0] : vector<16xf32>, vector<16xi32> -> vector<16xf32>
        %add3A_339 = arith.addf %add3A_328, %gather3A_338 : vector<16xf32>
        %mul3A_340 = arith.constant 0.00999999977 : f32
        %mul3A_341 = vector.broadcast %mul3A_340 : f32 to vector<16xf32>
        %mul3A_342 = arith.mulf %add3A_339, %mul3A_341 : vector<16xf32>
        %lt3A_343 = arith.constant 0 : i32
        %lt3A_344 = vector.broadcast %lt3A_343 : i32 to vector<16xi32>
        %lt3A_345 = arith.cmpi slt, %xor3A_4, %lt3A_344 : vector<16xi32>
        %add3A_346 = arith.constant 16 : i32
        %add3A_347 = vector.broadcast %add3A_346 : i32 to vector<16xi32>
        %add3A_348 = arith.addi %xor3A_4, %add3A_347 : vector<16xi32>
        %select_n3A_349 = arith.select %lt3A_345, %add3A_348, %xor3A_4 : vector<16xi1>, vector<16xi32>
        %broadcast_in_dim3A_350 = vector.shape_cast %select_n3A_349 : vector<16xi32> to vector<16x1xi32>
        %gather3A_351 = vector.shape_cast %broadcast_in_dim3A_350 : vector<16x1xi32> to vector<16xi32>
        %gather3A_352 = tpu.dynamic_gather %add3A_296[%gather3A_351] in [0] : vector<16xf32>, vector<16xi32> -> vector<16xf32>
        %add3A_353 = arith.addf %add3A_296, %gather3A_352 : vector<16xf32>
        %lt3A_354 = arith.constant 0 : i32
        %lt3A_355 = vector.broadcast %lt3A_354 : i32 to vector<16xi32>
        %lt3A_356 = arith.cmpi slt, %xor3A_7, %lt3A_355 : vector<16xi32>
        %add3A_357 = arith.constant 16 : i32
        %add3A_358 = vector.broadcast %add3A_357 : i32 to vector<16xi32>
        %add3A_359 = arith.addi %xor3A_7, %add3A_358 : vector<16xi32>
        %select_n3A_360 = arith.select %lt3A_356, %add3A_359, %xor3A_7 : vector<16xi1>, vector<16xi32>
        %broadcast_in_dim3A_361 = vector.shape_cast %select_n3A_360 : vector<16xi32> to vector<16x1xi32>
        %gather3A_362 = vector.shape_cast %broadcast_in_dim3A_361 : vector<16x1xi32> to vector<16xi32>
        %gather3A_363 = tpu.dynamic_gather %add3A_353[%gather3A_362] in [0] : vector<16xf32>, vector<16xi32> -> vector<16xf32>
        %add3A_364 = arith.addf %add3A_353, %gather3A_363 : vector<16xf32>
        %lt3A_365 = arith.constant 0 : i32
        %lt3A_366 = vector.broadcast %lt3A_365 : i32 to vector<16xi32>
        %lt3A_367 = arith.cmpi slt, %xor3A_10, %lt3A_366 : vector<16xi32>
        %add3A_368 = arith.constant 16 : i32
        %add3A_369 = vector.broadcast %add3A_368 : i32 to vector<16xi32>
        %add3A_370 = arith.addi %xor3A_10, %add3A_369 : vector<16xi32>
        %select_n3A_371 = arith.select %lt3A_367, %add3A_370, %xor3A_10 : vector<16xi1>, vector<16xi32>
        %broadcast_in_dim3A_372 = vector.shape_cast %select_n3A_371 : vector<16xi32> to vector<16x1xi32>
        %gather3A_373 = vector.shape_cast %broadcast_in_dim3A_372 : vector<16x1xi32> to vector<16xi32>
        %gather3A_374 = tpu.dynamic_gather %add3A_364[%gather3A_373] in [0] : vector<16xf32>, vector<16xi32> -> vector<16xf32>
        %add3A_375 = arith.addf %add3A_364, %gather3A_374 : vector<16xf32>
        %lt3A_376 = arith.constant 0 : i32
        %lt3A_377 = vector.broadcast %lt3A_376 : i32 to vector<16xi32>
        %lt3A_378 = arith.cmpi slt, %xor3A_13, %lt3A_377 : vector<16xi32>
        %add3A_379 = arith.constant 16 : i32
        %add3A_380 = vector.broadcast %add3A_379 : i32 to vector<16xi32>
        %add3A_381 = arith.addi %xor3A_13, %add3A_380 : vector<16xi32>
        %select_n3A_382 = arith.select %lt3A_378, %add3A_381, %xor3A_13 : vector<16xi1>, vector<16xi32>
        %broadcast_in_dim3A_383 = vector.shape_cast %select_n3A_382 : vector<16xi32> to vector<16x1xi32>
        %gather3A_384 = vector.shape_cast %broadcast_in_dim3A_383 : vector<16x1xi32> to vector<16xi32>
        %gather3A_385 = tpu.dynamic_gather %add3A_375[%gather3A_384] in [0] : vector<16xf32>, vector<16xi32> -> vector<16xf32>
        %add3A_386 = arith.addf %add3A_375, %gather3A_385 : vector<16xf32>
        %mul3A_387 = arith.constant 0.00999999977 : f32
        %mul3A_388 = vector.broadcast %mul3A_387 : f32 to vector<16xf32>
        %mul3A_389 = arith.mulf %add3A_386, %mul3A_388 : vector<16xf32>
        %mul3A_390 = arith.mulf %mul3A_342, %mul3A_342 : vector<16xf32>
        %sub3A = arith.subf %mul3A_389, %mul3A_390 : vector<16xf32>
        %add3A_391 = arith.constant 9.99999997E-7 : f32
        %add3A_392 = vector.broadcast %add3A_391 : f32 to vector<16xf32>
        %add3A_393 = arith.addf %sub3A, %add3A_392 : vector<16xf32>
        %bitcast_convert_type3A = tpu.bitcast %add3A_393 : vector<16xf32> -> vector<16xi32>
        %shift_right_logical3A = arith.constant 1 : i32
        %shift_right_logical3A_394 = vector.broadcast %shift_right_logical3A : i32 to vector<16xi32>
        %shift_right_logical3A_395 = arith.shrui %bitcast_convert_type3A, %shift_right_logical3A_394 : vector<16xi32>
        %sub3A_396 = arith.constant 1597463007 : i32
        %sub3A_397 = vector.broadcast %sub3A_396 : i32 to vector<16xi32>
        %sub3A_398 = arith.subi %sub3A_397, %shift_right_logical3A_395 : vector<16xi32>
        %bitcast_convert_type3A_399 = tpu.bitcast %sub3A_398 : vector<16xi32> -> vector<16xf32>
        %mul3A_400 = arith.constant 5.000000e-01 : f32
        %mul3A_401 = vector.broadcast %mul3A_400 : f32 to vector<16xf32>
        %mul3A_402 = arith.mulf %mul3A_401, %add3A_393 : vector<16xf32>
        %mul3A_403 = arith.mulf %mul3A_402, %bitcast_convert_type3A_399 : vector<16xf32>
        %mul3A_404 = arith.mulf %mul3A_403, %bitcast_convert_type3A_399 : vector<16xf32>
        %sub3A_405 = arith.constant 1.500000e+00 : f32
        %sub3A_406 = vector.broadcast %sub3A_405 : f32 to vector<16xf32>
        %sub3A_407 = arith.subf %sub3A_406, %mul3A_404 : vector<16xf32>
        %mul3A_408 = arith.mulf %bitcast_convert_type3A_399, %sub3A_407 : vector<16xf32>
        %mul3A_409 = arith.constant 5.000000e-01 : f32
        %mul3A_410 = vector.broadcast %mul3A_409 : f32 to vector<16xf32>
        %mul3A_411 = arith.mulf %mul3A_410, %add3A_393 : vector<16xf32>
        %mul3A_412 = arith.mulf %mul3A_411, %mul3A_408 : vector<16xf32>
        %mul3A_413 = arith.mulf %mul3A_412, %mul3A_408 : vector<16xf32>
        %sub3A_414 = arith.constant 1.500000e+00 : f32
        %sub3A_415 = vector.broadcast %sub3A_414 : f32 to vector<16xf32>
        %sub3A_416 = arith.subf %sub3A_415, %mul3A_413 : vector<16xf32>
        %mul3A_417 = arith.mulf %mul3A_408, %sub3A_416 : vector<16xf32>
        %mul3A_418 = arith.constant 5.000000e-01 : f32
        %mul3A_419 = vector.broadcast %mul3A_418 : f32 to vector<16xf32>
        %mul3A_420 = arith.mulf %mul3A_419, %add3A_393 : vector<16xf32>
        %mul3A_421 = arith.mulf %mul3A_420, %mul3A_417 : vector<16xf32>
        %mul3A_422 = arith.mulf %mul3A_421, %mul3A_417 : vector<16xf32>
        %sub3A_423 = arith.constant 1.500000e+00 : f32
        %sub3A_424 = vector.broadcast %sub3A_423 : f32 to vector<16xf32>
        %sub3A_425 = arith.subf %sub3A_424, %mul3A_422 : vector<16xf32>
        %mul3A_426 = arith.mulf %mul3A_417, %sub3A_425 : vector<16xf32>
        %sub3A_427 = arith.subf %add3A_204, %mul3A_342 : vector<16xf32>
        %mul3A_428 = arith.mulf %sub3A_427, %mul3A_426 : vector<16xf32>
        %mul3A_429 = arith.mulf %mul3A_428, %get3A_15 : vector<16xf32>
        %add3A_430 = arith.addf %mul3A_429, %get3A_36 : vector<16xf32>
        %swap3A = arith.index_cast %scan3A_183 : i32 to index
        %swap3A_431 = arith.constant 0 : index
        %swap3A_432 = tpu.vector_load %arg18[%swap3A, %swap3A_431] {strides = array<i32>} : memref<128x100xf32, #tpu.memory_space<vmem>>, vector<1x16xf32>,
        %swap3A_433 = vector.shape_cast %swap3A_432 : vector<1x16xf32> to vector<16xf32>
        %swap3A_434 = vector.shape_cast %add3A_430 : vector<16xf32> to vector<1x16xf32>
        tpu.vector_store %arg18[%swap3A, %swap3A_431], %swap3A_434 {strides = array<i32>} : memref<128x100xf32, #tpu.memory_space<vmem>>, vector<1x16xf32>,
        %sub3A_435 = arith.subf %add3A_216, %mul3A_342 : vector<16xf32>
        %mul3A_436 = arith.mulf %sub3A_435, %mul3A_426 : vector<16xf32>
        %mul3A_437 = arith.mulf %mul3A_436, %get3A_18 : vector<16xf32>
        %add3A_438 = arith.addf %mul3A_437, %get3A_39 : vector<16xf32>
        %swap3A_439 = arith.index_cast %scan3A_183 : i32 to index
        %swap3A_440 = arith.constant 16 : index
        %swap3A_441 = tpu.vector_load %arg18[%swap3A_439, %swap3A_440] {strides = array<i32>} : memref<128x100xf32, #tpu.memory_space<vmem>>, vector<1x16xf32>,
        %swap3A_442 = vector.shape_cast %swap3A_441 : vector<1x16xf32> to vector<16xf32>
        %swap3A_443 = vector.shape_cast %add3A_438 : vector<16xf32> to vector<1x16xf32>
        tpu.vector_store %arg18[%swap3A_439, %swap3A_440], %swap3A_443 {strides = array<i32>} : memref<128x100xf32, #tpu.memory_space<vmem>>, vector<1x16xf32>,
        %sub3A_444 = arith.subf %add3A_228, %mul3A_342 : vector<16xf32>
        %mul3A_445 = arith.mulf %sub3A_444, %mul3A_426 : vector<16xf32>
        %mul3A_446 = arith.mulf %mul3A_445, %get3A_21 : vector<16xf32>
        %add3A_447 = arith.addf %mul3A_446, %get3A_42 : vector<16xf32>
        %swap3A_448 = arith.index_cast %scan3A_183 : i32 to index
        %swap3A_449 = arith.constant 32 : index
        %swap3A_450 = tpu.vector_load %arg18[%swap3A_448, %swap3A_449] {strides = array<i32>} : memref<128x100xf32, #tpu.memory_space<vmem>>, vector<1x16xf32>,
        %swap3A_451 = vector.shape_cast %swap3A_450 : vector<1x16xf32> to vector<16xf32>
        %swap3A_452 = vector.shape_cast %add3A_447 : vector<16xf32> to vector<1x16xf32>
        tpu.vector_store %arg18[%swap3A_448, %swap3A_449], %swap3A_452 {strides = array<i32>} : memref<128x100xf32, #tpu.memory_space<vmem>>, vector<1x16xf32>,
        %sub3A_453 = arith.subf %add3A_240, %mul3A_342 : vector<16xf32>
        %mul3A_454 = arith.mulf %sub3A_453, %mul3A_426 : vector<16xf32>
        %mul3A_455 = arith.mulf %mul3A_454, %get3A_24 : vector<16xf32>
        %add3A_456 = arith.addf %mul3A_455, %get3A_45 : vector<16xf32>
        %swap3A_457 = arith.index_cast %scan3A_183 : i32 to index
        %swap3A_458 = arith.constant 48 : index
        %swap3A_459 = tpu.vector_load %arg18[%swap3A_457, %swap3A_458] {strides = array<i32>} : memref<128x100xf32, #tpu.memory_space<vmem>>, vector<1x16xf32>,
        %swap3A_460 = vector.shape_cast %swap3A_459 : vector<1x16xf32> to vector<16xf32>
        %swap3A_461 = vector.shape_cast %add3A_456 : vector<16xf32> to vector<1x16xf32>
        tpu.vector_store %arg18[%swap3A_457, %swap3A_458], %swap3A_461 {strides = array<i32>} : memref<128x100xf32, #tpu.memory_space<vmem>>, vector<1x16xf32>,
        %sub3A_462 = arith.subf %add3A_252, %mul3A_342 : vector<16xf32>
        %mul3A_463 = arith.mulf %sub3A_462, %mul3A_426 : vector<16xf32>
        %mul3A_464 = arith.mulf %mul3A_463, %get3A_27 : vector<16xf32>
        %add3A_465 = arith.addf %mul3A_464, %get3A_48 : vector<16xf32>
        %swap3A_466 = arith.index_cast %scan3A_183 : i32 to index
        %swap3A_467 = arith.constant 64 : index
        %swap3A_468 = tpu.vector_load %arg18[%swap3A_466, %swap3A_467] {strides = array<i32>} : memref<128x100xf32, #tpu.memory_space<vmem>>, vector<1x16xf32>,
        %swap3A_469 = vector.shape_cast %swap3A_468 : vector<1x16xf32> to vector<16xf32>
        %swap3A_470 = vector.shape_cast %add3A_465 : vector<16xf32> to vector<1x16xf32>
        tpu.vector_store %arg18[%swap3A_466, %swap3A_467], %swap3A_470 {strides = array<i32>} : memref<128x100xf32, #tpu.memory_space<vmem>>, vector<1x16xf32>,
        %sub3A_471 = arith.subf %add3A_264, %mul3A_342 : vector<16xf32>
        %mul3A_472 = arith.mulf %sub3A_471, %mul3A_426 : vector<16xf32>
        %mul3A_473 = arith.mulf %mul3A_472, %get3A_30 : vector<16xf32>
        %add3A_474 = arith.addf %mul3A_473, %get3A_51 : vector<16xf32>
        %swap3A_475 = arith.index_cast %scan3A_183 : i32 to index
        %swap3A_476 = arith.constant 80 : index
        %swap3A_477 = tpu.vector_load %arg18[%swap3A_475, %swap3A_476] {strides = array<i32>} : memref<128x100xf32, #tpu.memory_space<vmem>>, vector<1x16xf32>,
        %swap3A_478 = vector.shape_cast %swap3A_477 : vector<1x16xf32> to vector<16xf32>
        %swap3A_479 = vector.shape_cast %add3A_474 : vector<16xf32> to vector<1x16xf32>
        tpu.vector_store %arg18[%swap3A_475, %swap3A_476], %swap3A_479 {strides = array<i32>} : memref<128x100xf32, #tpu.memory_space<vmem>>, vector<1x16xf32>,
        %sub3A_480 = arith.subf %add3A_276, %mul3A_342 : vector<16xf32>
        %mul3A_481 = arith.mulf %sub3A_480, %mul3A_426 : vector<16xf32>
        %mul3A_482 = arith.mulf %mul3A_481, %get3A_33 : vector<16xf32>
        %add3A_483 = arith.addf %mul3A_482, %get3A_54 : vector<16xf32>
        %swap3A_484 = arith.index_cast %scan3A_183 : i32 to index
        %swap3A_485 = arith.constant 84 : index
        %swap3A_486 = tpu.vector_load %arg18[%swap3A_484, %swap3A_485] {strides = array<i32>} : memref<128x100xf32, #tpu.memory_space<vmem>>, vector<1x16xf32>,
        %swap3A_487 = vector.shape_cast %swap3A_486 : vector<1x16xf32> to vector<16xf32>
        %swap3A_488 = vector.shape_cast %add3A_483 : vector<16xf32> to vector<1x16xf32>
        tpu.vector_store %arg18[%swap3A_484, %swap3A_485], %swap3A_488 {strides = array<i32>} : memref<128x100xf32, #tpu.memory_space<vmem>>, vector<1x16xf32>,
        %add3A_489 = arith.constant 1 : i32
        %add3A_490 = arith.addi %scan3A_184, %add3A_489 : i32
        %eq3A = arith.constant 200 : i32
        %eq3A_491 = arith.cmpi eq, %add3A_490, %eq3A : i32
        %jit3A_492 = arith.constant 0 : i32
        %select_n3A_493 = arith.select %eq3A_491, %jit3A_492, %add3A_490 : i32
        scf.yield %select_n3A_493 : i32
      }
      %scan3A_130 = arith.constant 128 : i32
      %mul3A_131 = arith.constant 6400 : i32
      %mul3A_132 = arith.muli %add3A, %mul3A_131 : i32
      %mul3A_133 = arith.constant 128 : i32
      %mul3A_134 = arith.muli %add3A_113, %mul3A_133 : i32
      %add3A_135 = arith.addi %mul3A_132, %mul3A_134 : i32
      %dma_start3A_136 = arith.constant 0 : i32
      %dma_start3A_137 = tpu.memref_slice %arg9[%add3A_135, %dma_start3A_136] : memref<204800x100xf32, #tpu.memory_space<hbm>> -> memref<128x100xf32, #tpu.memory_space<hbm>>
      %dma_start3A_138 = arith.constant 0 : i32
      %dma_start3A_139 = tpu.memref_slice %arg9[%add3A_135, %dma_start3A_138] : memref<204800x100xf32, #tpu.memory_space<hbm>> -> memref<128x100xf32, #tpu.memory_space<hbm>>
      tpu.enqueue_dma source(%arg18 : memref<128x100xf32, #tpu.memory_space<vmem>>) target(%dma_start3A_139 : memref<128x100xf32, #tpu.memory_space<hbm>>) target_semaphore(%arg22 : memref<!tpu.dma_semaphore, #tpu.memory_space<semaphore_mem>>)
      %lt3A = arith.constant 24 : i32
      %lt3A_140 = arith.cmpi slt, %scan3A_109, %lt3A : i32
      %convert_element_type3A_141 = arith.extui %lt3A_140 : i1 to i32
      %cond3A_142 = arith.constant 0 : i32
      %cond3A_143 = arith.cmpi ne, %convert_element_type3A_141, %cond3A_142 : i32
      scf.if %cond3A_143 {
        %add3A_183 = arith.constant 2 : i32
        %add3A_184 = arith.addi %add3A_113, %add3A_183 : i32
        %dma_start3A_185 = arith.constant 0 : i32
        %dma_start3A_186 = tpu.memref_slice %arg10[%add3A_184, %dma_start3A_185] : memref<50x128xi32, #tpu.memory_space<vmem>> -> memref<1x128xi32, #tpu.memory_space<vmem>>
        %dma_start3A_187 = tpu.memref_squeeze %dma_start3A_186 : memref<1x128xi32, #tpu.memory_space<vmem>> -> memref<128xi32, #tpu.memory_space<vmem>>
        %dma_start3A_188 = arith.constant 0 : i32
        %dma_start3A_189 = arith.constant 0 : i32
        %dma_start3A_190 = tpu.memref_slice %arg4[%dma_start3A_188, %dma_start3A_189] : memref<144844x200xf32, #tpu.memory_space<hbm>> -> memref<144844x200xf32, #tpu.memory_space<hbm>>
        tpu.enqueue_indirect_dma source(%dma_start3A_190 : memref<144844x200xf32, #tpu.memory_space<hbm>>) target(%arg16 : memref<128x200xf32, #tpu.memory_space<vmem>>) offsets(%dma_start3A_187 : memref<128xi32, #tpu.memory_space<vmem>>) semaphore(%arg20 : memref<!tpu.dma_semaphore, #tpu.memory_space<semaphore_mem>>)
      } else {
      }
      %mul3A_144 = arith.constant 2 : i32
      %mul3A_145 = arith.muli %scan3A_109, %mul3A_144 : i32
      %add3A_146 = arith.constant 1 : i32
      %add3A_147 = arith.addi %mul3A_145, %add3A_146 : i32
      %dma_wait3A_148 = arith.constant 0 : i32
      %dma_wait3A_149 = tpu.memref_slice %arg10[%add3A_147, %dma_wait3A_148] : memref<50x128xi32, #tpu.memory_space<vmem>> -> memref<1x128xi32, #tpu.memory_space<vmem>>
      %dma_wait3A_150 = tpu.memref_squeeze %dma_wait3A_149 : memref<1x128xi32, #tpu.memory_space<vmem>> -> memref<128xi32, #tpu.memory_space<vmem>>
      %dma_wait3A_151 = arith.constant 0 : i32
      %dma_wait3A_152 = arith.constant 0 : i32
      %dma_wait3A_153 = tpu.memref_slice %arg4[%dma_wait3A_151, %dma_wait3A_152] : memref<144844x200xf32, #tpu.memory_space<hbm>> -> memref<144844x200xf32, #tpu.memory_space<hbm>>
      tpu.wait_indirect_dma semaphore(%arg21 : memref<!tpu.dma_semaphore, #tpu.memory_space<semaphore_mem>>) src(%dma_wait3A_153 : memref<144844x200xf32, #tpu.memory_space<hbm>>) dst(%arg17 : memref<128x200xf32, #tpu.memory_space<vmem>>)
      %gt3A_154 = arith.constant 0 : i32
      %gt3A_155 = arith.cmpi sgt, %scan3A_109, %gt3A_154 : i32
      %convert_element_type3A_156 = arith.extui %gt3A_155 : i1 to i32
      %cond3A_157 = arith.constant 0 : i32
      %cond3A_158 = arith.cmpi ne, %convert_element_type3A_156, %cond3A_157 : i32
      scf.if %cond3A_158 {
        %sub3A = arith.constant 2 : i32
        %sub3A_183 = arith.subi %add3A_147, %sub3A : i32
        %mul3A_184 = arith.constant 6400 : i32
        %mul3A_185 = arith.muli %add3A, %mul3A_184 : i32
        %mul3A_186 = arith.constant 128 : i32
        %mul3A_187 = arith.muli %sub3A_183, %mul3A_186 : i32
        %add3A_188 = arith.addi %mul3A_185, %mul3A_187 : i32
        %dma_wait3A_189 = arith.constant 0 : i32
        %dma_wait3A_190 = tpu.memref_slice %arg9[%add3A_188, %dma_wait3A_189] : memref<204800x100xf32, #tpu.memory_space<hbm>> -> memref<128x100xf32, #tpu.memory_space<hbm>>
        %dma_wait3A_191 = arith.constant 0 : i32
        %dma_wait3A_192 = tpu.memref_slice %arg9[%add3A_188, %dma_wait3A_191] : memref<204800x100xf32, #tpu.memory_space<hbm>> -> memref<128x100xf32, #tpu.memory_space<hbm>>
        tpu.wait_dma2 semaphore(%arg23 : memref<!tpu.dma_semaphore, #tpu.memory_space<semaphore_mem>>) src(%arg19 : memref<128x100xf32, #tpu.memory_space<vmem>>) dst(%dma_wait3A_192 : memref<128x100xf32, #tpu.memory_space<hbm>>)
      } else {
      }
      %mul3A_159 = arith.constant 128 : i32
      %mul3A_160 = arith.muli %add3A_147, %mul3A_159 : i32
      %rem3A_161 = arith.constant 200 : i32
      %rem3A_162 = arith.remsi %mul3A_160, %rem3A_161 : i32
      %scan3A_163 = arith.constant 0 : i32
      %scan3A_164 = arith.constant 128 : i32
      %scan3A_165 = arith.addi %scan3A_163, %scan3A_164 : i32
      %scan3A_166 = arith.constant 1 : i32
      %scan3A_167 = scf.for %scan3A_183 = %scan3A_163 to %scan3A_165 step %scan3A_166 iter_args(%scan3A_184 = %rem3A_162) -> (i32)  : i32 {
        %get3A_185 = arith.index_cast %add3A_147 : i32 to index
        %get3A_186 = arith.index_cast %scan3A_183 : i32 to index
        %get3A_187 = tpu.vector_load %arg11[%get3A_185, %get3A_186] {strides = array<i32>} : memref<50x144xi32, #tpu.memory_space<vmem>>, vector<1x16xi32>,
        %get3A_188 = vector.shape_cast %get3A_187 : vector<1x16xi32> to vector<16xi32>
        %slice3A = vector.extract_strided_slice %get3A_188 {offsets = [0], sizes = [1], strides = [1]} : vector<16xi32> to vector<1xi32>
        %squeeze3A = vector.extract %slice3A[0] : i32 from vector<1xi32>
        %and3A = arith.constant 1 : i32
        %and3A_189 = arith.andi %squeeze3A, %and3A : i32
        %mul3A_190 = arith.constant 100 : i32
        %mul3A_191 = arith.muli %and3A_189, %mul3A_190 : i32
        %ge3A_192 = arith.constant 2 : i32
        %ge3A_193 = arith.cmpi sge, %squeeze3A, %ge3A_192 : i32
        %add3A_194 = arith.constant 0 : i32
        %add3A_195 = arith.addi %mul3A_191, %add3A_194 : i32
        %get3A_196 = arith.index_cast %scan3A_183 : i32 to index
        %get3A_197 = arith.index_cast %add3A_195 : i32 to index
        %get3A_198 = tpu.vector_load %arg17[%get3A_196, %get3A_197] {strides = array<i32>} : memref<128x200xf32, #tpu.memory_space<vmem>>, vector<1x16xf32>,
        %get3A_199 = vector.shape_cast %get3A_198 : vector<1x16xf32> to vector<16xf32>
        %select_n3A = arith.select %ge3A_193, %get3A_57, %get3A_199 : vector<16xf32>
        %get3A_200 = arith.index_cast %scan3A_184 : i32 to index
        %get3A_201 = arith.constant 0 : index
        %get3A_202 = tpu.vector_load %arg12[%get3A_200, %get3A_201] {strides = array<i32>} : memref<200x100xf32, #tpu.memory_space<vmem>>, vector<1x16xf32>,
        %get3A_203 = vector.shape_cast %get3A_202 : vector<1x16xf32> to vector<16xf32>
        %add3A_204 = arith.addf %select_n3A, %get3A_203 : vector<16xf32>
        %add3A_205 = arith.constant 16 : i32
        %add3A_206 = arith.addi %mul3A_191, %add3A_205 : i32
        %get3A_207 = arith.index_cast %scan3A_183 : i32 to index
        %get3A_208 = arith.index_cast %add3A_206 : i32 to index
        %get3A_209 = tpu.vector_load %arg17[%get3A_207, %get3A_208] {strides = array<i32>} : memref<128x200xf32, #tpu.memory_space<vmem>>, vector<1x16xf32>,
        %get3A_210 = vector.shape_cast %get3A_209 : vector<1x16xf32> to vector<16xf32>
        %select_n3A_211 = arith.select %ge3A_193, %get3A_60, %get3A_210 : vector<16xf32>
        %get3A_212 = arith.index_cast %scan3A_184 : i32 to index
        %get3A_213 = arith.constant 16 : index
        %get3A_214 = tpu.vector_load %arg12[%get3A_212, %get3A_213] {strides = array<i32>} : memref<200x100xf32, #tpu.memory_space<vmem>>, vector<1x16xf32>,
        %get3A_215 = vector.shape_cast %get3A_214 : vector<1x16xf32> to vector<16xf32>
        %add3A_216 = arith.addf %select_n3A_211, %get3A_215 : vector<16xf32>
        %add3A_217 = arith.constant 32 : i32
        %add3A_218 = arith.addi %mul3A_191, %add3A_217 : i32
        %get3A_219 = arith.index_cast %scan3A_183 : i32 to index
        %get3A_220 = arith.index_cast %add3A_218 : i32 to index
        %get3A_221 = tpu.vector_load %arg17[%get3A_219, %get3A_220] {strides = array<i32>} : memref<128x200xf32, #tpu.memory_space<vmem>>, vector<1x16xf32>,
        %get3A_222 = vector.shape_cast %get3A_221 : vector<1x16xf32> to vector<16xf32>
        %select_n3A_223 = arith.select %ge3A_193, %get3A_63, %get3A_222 : vector<16xf32>
        %get3A_224 = arith.index_cast %scan3A_184 : i32 to index
        %get3A_225 = arith.constant 32 : index
        %get3A_226 = tpu.vector_load %arg12[%get3A_224, %get3A_225] {strides = array<i32>} : memref<200x100xf32, #tpu.memory_space<vmem>>, vector<1x16xf32>,
        %get3A_227 = vector.shape_cast %get3A_226 : vector<1x16xf32> to vector<16xf32>
        %add3A_228 = arith.addf %select_n3A_223, %get3A_227 : vector<16xf32>
        %add3A_229 = arith.constant 48 : i32
        %add3A_230 = arith.addi %mul3A_191, %add3A_229 : i32
        %get3A_231 = arith.index_cast %scan3A_183 : i32 to index
        %get3A_232 = arith.index_cast %add3A_230 : i32 to index
        %get3A_233 = tpu.vector_load %arg17[%get3A_231, %get3A_232] {strides = array<i32>} : memref<128x200xf32, #tpu.memory_space<vmem>>, vector<1x16xf32>,
        %get3A_234 = vector.shape_cast %get3A_233 : vector<1x16xf32> to vector<16xf32>
        %select_n3A_235 = arith.select %ge3A_193, %get3A_66, %get3A_234 : vector<16xf32>
        %get3A_236 = arith.index_cast %scan3A_184 : i32 to index
        %get3A_237 = arith.constant 48 : index
        %get3A_238 = tpu.vector_load %arg12[%get3A_236, %get3A_237] {strides = array<i32>} : memref<200x100xf32, #tpu.memory_space<vmem>>, vector<1x16xf32>,
        %get3A_239 = vector.shape_cast %get3A_238 : vector<1x16xf32> to vector<16xf32>
        %add3A_240 = arith.addf %select_n3A_235, %get3A_239 : vector<16xf32>
        %add3A_241 = arith.constant 64 : i32
        %add3A_242 = arith.addi %mul3A_191, %add3A_241 : i32
        %get3A_243 = arith.index_cast %scan3A_183 : i32 to index
        %get3A_244 = arith.index_cast %add3A_242 : i32 to index
        %get3A_245 = tpu.vector_load %arg17[%get3A_243, %get3A_244] {strides = array<i32>} : memref<128x200xf32, #tpu.memory_space<vmem>>, vector<1x16xf32>,
        %get3A_246 = vector.shape_cast %get3A_245 : vector<1x16xf32> to vector<16xf32>
        %select_n3A_247 = arith.select %ge3A_193, %get3A_69, %get3A_246 : vector<16xf32>
        %get3A_248 = arith.index_cast %scan3A_184 : i32 to index
        %get3A_249 = arith.constant 64 : index
        %get3A_250 = tpu.vector_load %arg12[%get3A_248, %get3A_249] {strides = array<i32>} : memref<200x100xf32, #tpu.memory_space<vmem>>, vector<1x16xf32>,
        %get3A_251 = vector.shape_cast %get3A_250 : vector<1x16xf32> to vector<16xf32>
        %add3A_252 = arith.addf %select_n3A_247, %get3A_251 : vector<16xf32>
        %add3A_253 = arith.constant 80 : i32
        %add3A_254 = arith.addi %mul3A_191, %add3A_253 : i32
        %get3A_255 = arith.index_cast %scan3A_183 : i32 to index
        %get3A_256 = arith.index_cast %add3A_254 : i32 to index
        %get3A_257 = tpu.vector_load %arg17[%get3A_255, %get3A_256] {strides = array<i32>} : memref<128x200xf32, #tpu.memory_space<vmem>>, vector<1x16xf32>,
        %get3A_258 = vector.shape_cast %get3A_257 : vector<1x16xf32> to vector<16xf32>
        %select_n3A_259 = arith.select %ge3A_193, %get3A_72, %get3A_258 : vector<16xf32>
        %get3A_260 = arith.index_cast %scan3A_184 : i32 to index
        %get3A_261 = arith.constant 80 : index
        %get3A_262 = tpu.vector_load %arg12[%get3A_260, %get3A_261] {strides = array<i32>} : memref<200x100xf32, #tpu.memory_space<vmem>>, vector<1x16xf32>,
        %get3A_263 = vector.shape_cast %get3A_262 : vector<1x16xf32> to vector<16xf32>
        %add3A_264 = arith.addf %select_n3A_259, %get3A_263 : vector<16xf32>
        %add3A_265 = arith.constant 84 : i32
        %add3A_266 = arith.addi %mul3A_191, %add3A_265 : i32
        %get3A_267 = arith.index_cast %scan3A_183 : i32 to index
        %get3A_268 = arith.index_cast %add3A_266 : i32 to index
        %get3A_269 = tpu.vector_load %arg17[%get3A_267, %get3A_268] {strides = array<i32>} : memref<128x200xf32, #tpu.memory_space<vmem>>, vector<1x16xf32>,
        %get3A_270 = vector.shape_cast %get3A_269 : vector<1x16xf32> to vector<16xf32>
        %select_n3A_271 = arith.select %ge3A_193, %get3A_75, %get3A_270 : vector<16xf32>
        %get3A_272 = arith.index_cast %scan3A_184 : i32 to index
        %get3A_273 = arith.constant 84 : index
        %get3A_274 = tpu.vector_load %arg12[%get3A_272, %get3A_273] {strides = array<i32>} : memref<200x100xf32, #tpu.memory_space<vmem>>, vector<1x16xf32>,
        %get3A_275 = vector.shape_cast %get3A_274 : vector<1x16xf32> to vector<16xf32>
        %add3A_276 = arith.addf %select_n3A_271, %get3A_275 : vector<16xf32>
        %jit3A = arith.constant 0.000000e+00 : f32
        %broadcast_in_dim3A = vector.broadcast %jit3A : f32 to vector<16xf32>
        %select_n3A_277 = arith.select %ge3A_2, %add3A_276, %broadcast_in_dim3A : vector<16xi1>, vector<16xf32>
        %add3A_278 = arith.addf %add3A_204, %add3A_216 : vector<16xf32>
        %add3A_279 = arith.addf %add3A_228, %add3A_240 : vector<16xf32>
        %add3A_280 = arith.addf %add3A_278, %add3A_279 : vector<16xf32>
        %add3A_281 = arith.addf %add3A_252, %add3A_264 : vector<16xf32>
        %add3A_282 = arith.addf %add3A_281, %select_n3A_277 : vector<16xf32>
        %add3A_283 = arith.addf %add3A_280, %add3A_282 : vector<16xf32>
        %mul3A_284 = arith.mulf %add3A_204, %add3A_204 : vector<16xf32>
        %mul3A_285 = arith.mulf %add3A_216, %add3A_216 : vector<16xf32>
        %mul3A_286 = arith.mulf %add3A_228, %add3A_228 : vector<16xf32>
        %mul3A_287 = arith.mulf %add3A_240, %add3A_240 : vector<16xf32>
        %mul3A_288 = arith.mulf %add3A_252, %add3A_252 : vector<16xf32>
        %mul3A_289 = arith.mulf %add3A_264, %add3A_264 : vector<16xf32>
        %mul3A_290 = arith.mulf %select_n3A_277, %select_n3A_277 : vector<16xf32>
        %add3A_291 = arith.addf %mul3A_284, %mul3A_285 : vector<16xf32>
        %add3A_292 = arith.addf %mul3A_286, %mul3A_287 : vector<16xf32>
        %add3A_293 = arith.addf %add3A_291, %add3A_292 : vector<16xf32>
        %add3A_294 = arith.addf %mul3A_288, %mul3A_289 : vector<16xf32>
        %add3A_295 = arith.addf %add3A_294, %mul3A_290 : vector<16xf32>
        %add3A_296 = arith.addf %add3A_293, %add3A_295 : vector<16xf32>
        %lt3A_297 = arith.constant 0 : i32
        %lt3A_298 = vector.broadcast %lt3A_297 : i32 to vector<16xi32>
        %lt3A_299 = arith.cmpi slt, %xor3A_4, %lt3A_298 : vector<16xi32>
        %add3A_300 = arith.constant 16 : i32
        %add3A_301 = vector.broadcast %add3A_300 : i32 to vector<16xi32>
        %add3A_302 = arith.addi %xor3A_4, %add3A_301 : vector<16xi32>
        %select_n3A_303 = arith.select %lt3A_299, %add3A_302, %xor3A_4 : vector<16xi1>, vector<16xi32>
        %broadcast_in_dim3A_304 = vector.shape_cast %select_n3A_303 : vector<16xi32> to vector<16x1xi32>
        %gather3A = vector.shape_cast %broadcast_in_dim3A_304 : vector<16x1xi32> to vector<16xi32>
        %gather3A_305 = tpu.dynamic_gather %add3A_283[%gather3A] in [0] : vector<16xf32>, vector<16xi32> -> vector<16xf32>
        %add3A_306 = arith.addf %add3A_283, %gather3A_305 : vector<16xf32>
        %lt3A_307 = arith.constant 0 : i32
        %lt3A_308 = vector.broadcast %lt3A_307 : i32 to vector<16xi32>
        %lt3A_309 = arith.cmpi slt, %xor3A_7, %lt3A_308 : vector<16xi32>
        %add3A_310 = arith.constant 16 : i32
        %add3A_311 = vector.broadcast %add3A_310 : i32 to vector<16xi32>
        %add3A_312 = arith.addi %xor3A_7, %add3A_311 : vector<16xi32>
        %select_n3A_313 = arith.select %lt3A_309, %add3A_312, %xor3A_7 : vector<16xi1>, vector<16xi32>
        %broadcast_in_dim3A_314 = vector.shape_cast %select_n3A_313 : vector<16xi32> to vector<16x1xi32>
        %gather3A_315 = vector.shape_cast %broadcast_in_dim3A_314 : vector<16x1xi32> to vector<16xi32>
        %gather3A_316 = tpu.dynamic_gather %add3A_306[%gather3A_315] in [0] : vector<16xf32>, vector<16xi32> -> vector<16xf32>
        %add3A_317 = arith.addf %add3A_306, %gather3A_316 : vector<16xf32>
        %lt3A_318 = arith.constant 0 : i32
        %lt3A_319 = vector.broadcast %lt3A_318 : i32 to vector<16xi32>
        %lt3A_320 = arith.cmpi slt, %xor3A_10, %lt3A_319 : vector<16xi32>
        %add3A_321 = arith.constant 16 : i32
        %add3A_322 = vector.broadcast %add3A_321 : i32 to vector<16xi32>
        %add3A_323 = arith.addi %xor3A_10, %add3A_322 : vector<16xi32>
        %select_n3A_324 = arith.select %lt3A_320, %add3A_323, %xor3A_10 : vector<16xi1>, vector<16xi32>
        %broadcast_in_dim3A_325 = vector.shape_cast %select_n3A_324 : vector<16xi32> to vector<16x1xi32>
        %gather3A_326 = vector.shape_cast %broadcast_in_dim3A_325 : vector<16x1xi32> to vector<16xi32>
        %gather3A_327 = tpu.dynamic_gather %add3A_317[%gather3A_326] in [0] : vector<16xf32>, vector<16xi32> -> vector<16xf32>
        %add3A_328 = arith.addf %add3A_317, %gather3A_327 : vector<16xf32>
        %lt3A_329 = arith.constant 0 : i32
        %lt3A_330 = vector.broadcast %lt3A_329 : i32 to vector<16xi32>
        %lt3A_331 = arith.cmpi slt, %xor3A_13, %lt3A_330 : vector<16xi32>
        %add3A_332 = arith.constant 16 : i32
        %add3A_333 = vector.broadcast %add3A_332 : i32 to vector<16xi32>
        %add3A_334 = arith.addi %xor3A_13, %add3A_333 : vector<16xi32>
        %select_n3A_335 = arith.select %lt3A_331, %add3A_334, %xor3A_13 : vector<16xi1>, vector<16xi32>
        %broadcast_in_dim3A_336 = vector.shape_cast %select_n3A_335 : vector<16xi32> to vector<16x1xi32>
        %gather3A_337 = vector.shape_cast %broadcast_in_dim3A_336 : vector<16x1xi32> to vector<16xi32>
        %gather3A_338 = tpu.dynamic_gather %add3A_328[%gather3A_337] in [0] : vector<16xf32>, vector<16xi32> -> vector<16xf32>
        %add3A_339 = arith.addf %add3A_328, %gather3A_338 : vector<16xf32>
        %mul3A_340 = arith.constant 0.00999999977 : f32
        %mul3A_341 = vector.broadcast %mul3A_340 : f32 to vector<16xf32>
        %mul3A_342 = arith.mulf %add3A_339, %mul3A_341 : vector<16xf32>
        %lt3A_343 = arith.constant 0 : i32
        %lt3A_344 = vector.broadcast %lt3A_343 : i32 to vector<16xi32>
        %lt3A_345 = arith.cmpi slt, %xor3A_4, %lt3A_344 : vector<16xi32>
        %add3A_346 = arith.constant 16 : i32
        %add3A_347 = vector.broadcast %add3A_346 : i32 to vector<16xi32>
        %add3A_348 = arith.addi %xor3A_4, %add3A_347 : vector<16xi32>
        %select_n3A_349 = arith.select %lt3A_345, %add3A_348, %xor3A_4 : vector<16xi1>, vector<16xi32>
        %broadcast_in_dim3A_350 = vector.shape_cast %select_n3A_349 : vector<16xi32> to vector<16x1xi32>
        %gather3A_351 = vector.shape_cast %broadcast_in_dim3A_350 : vector<16x1xi32> to vector<16xi32>
        %gather3A_352 = tpu.dynamic_gather %add3A_296[%gather3A_351] in [0] : vector<16xf32>, vector<16xi32> -> vector<16xf32>
        %add3A_353 = arith.addf %add3A_296, %gather3A_352 : vector<16xf32>
        %lt3A_354 = arith.constant 0 : i32
        %lt3A_355 = vector.broadcast %lt3A_354 : i32 to vector<16xi32>
        %lt3A_356 = arith.cmpi slt, %xor3A_7, %lt3A_355 : vector<16xi32>
        %add3A_357 = arith.constant 16 : i32
        %add3A_358 = vector.broadcast %add3A_357 : i32 to vector<16xi32>
        %add3A_359 = arith.addi %xor3A_7, %add3A_358 : vector<16xi32>
        %select_n3A_360 = arith.select %lt3A_356, %add3A_359, %xor3A_7 : vector<16xi1>, vector<16xi32>
        %broadcast_in_dim3A_361 = vector.shape_cast %select_n3A_360 : vector<16xi32> to vector<16x1xi32>
        %gather3A_362 = vector.shape_cast %broadcast_in_dim3A_361 : vector<16x1xi32> to vector<16xi32>
        %gather3A_363 = tpu.dynamic_gather %add3A_353[%gather3A_362] in [0] : vector<16xf32>, vector<16xi32> -> vector<16xf32>
        %add3A_364 = arith.addf %add3A_353, %gather3A_363 : vector<16xf32>
        %lt3A_365 = arith.constant 0 : i32
        %lt3A_366 = vector.broadcast %lt3A_365 : i32 to vector<16xi32>
        %lt3A_367 = arith.cmpi slt, %xor3A_10, %lt3A_366 : vector<16xi32>
        %add3A_368 = arith.constant 16 : i32
        %add3A_369 = vector.broadcast %add3A_368 : i32 to vector<16xi32>
        %add3A_370 = arith.addi %xor3A_10, %add3A_369 : vector<16xi32>
        %select_n3A_371 = arith.select %lt3A_367, %add3A_370, %xor3A_10 : vector<16xi1>, vector<16xi32>
        %broadcast_in_dim3A_372 = vector.shape_cast %select_n3A_371 : vector<16xi32> to vector<16x1xi32>
        %gather3A_373 = vector.shape_cast %broadcast_in_dim3A_372 : vector<16x1xi32> to vector<16xi32>
        %gather3A_374 = tpu.dynamic_gather %add3A_364[%gather3A_373] in [0] : vector<16xf32>, vector<16xi32> -> vector<16xf32>
        %add3A_375 = arith.addf %add3A_364, %gather3A_374 : vector<16xf32>
        %lt3A_376 = arith.constant 0 : i32
        %lt3A_377 = vector.broadcast %lt3A_376 : i32 to vector<16xi32>
        %lt3A_378 = arith.cmpi slt, %xor3A_13, %lt3A_377 : vector<16xi32>
        %add3A_379 = arith.constant 16 : i32
        %add3A_380 = vector.broadcast %add3A_379 : i32 to vector<16xi32>
        %add3A_381 = arith.addi %xor3A_13, %add3A_380 : vector<16xi32>
        %select_n3A_382 = arith.select %lt3A_378, %add3A_381, %xor3A_13 : vector<16xi1>, vector<16xi32>
        %broadcast_in_dim3A_383 = vector.shape_cast %select_n3A_382 : vector<16xi32> to vector<16x1xi32>
        %gather3A_384 = vector.shape_cast %broadcast_in_dim3A_383 : vector<16x1xi32> to vector<16xi32>
        %gather3A_385 = tpu.dynamic_gather %add3A_375[%gather3A_384] in [0] : vector<16xf32>, vector<16xi32> -> vector<16xf32>
        %add3A_386 = arith.addf %add3A_375, %gather3A_385 : vector<16xf32>
        %mul3A_387 = arith.constant 0.00999999977 : f32
        %mul3A_388 = vector.broadcast %mul3A_387 : f32 to vector<16xf32>
        %mul3A_389 = arith.mulf %add3A_386, %mul3A_388 : vector<16xf32>
        %mul3A_390 = arith.mulf %mul3A_342, %mul3A_342 : vector<16xf32>
        %sub3A = arith.subf %mul3A_389, %mul3A_390 : vector<16xf32>
        %add3A_391 = arith.constant 9.99999997E-7 : f32
        %add3A_392 = vector.broadcast %add3A_391 : f32 to vector<16xf32>
        %add3A_393 = arith.addf %sub3A, %add3A_392 : vector<16xf32>
        %bitcast_convert_type3A = tpu.bitcast %add3A_393 : vector<16xf32> -> vector<16xi32>
        %shift_right_logical3A = arith.constant 1 : i32
        %shift_right_logical3A_394 = vector.broadcast %shift_right_logical3A : i32 to vector<16xi32>
        %shift_right_logical3A_395 = arith.shrui %bitcast_convert_type3A, %shift_right_logical3A_394 : vector<16xi32>
        %sub3A_396 = arith.constant 1597463007 : i32
        %sub3A_397 = vector.broadcast %sub3A_396 : i32 to vector<16xi32>
        %sub3A_398 = arith.subi %sub3A_397, %shift_right_logical3A_395 : vector<16xi32>
        %bitcast_convert_type3A_399 = tpu.bitcast %sub3A_398 : vector<16xi32> -> vector<16xf32>
        %mul3A_400 = arith.constant 5.000000e-01 : f32
        %mul3A_401 = vector.broadcast %mul3A_400 : f32 to vector<16xf32>
        %mul3A_402 = arith.mulf %mul3A_401, %add3A_393 : vector<16xf32>
        %mul3A_403 = arith.mulf %mul3A_402, %bitcast_convert_type3A_399 : vector<16xf32>
        %mul3A_404 = arith.mulf %mul3A_403, %bitcast_convert_type3A_399 : vector<16xf32>
        %sub3A_405 = arith.constant 1.500000e+00 : f32
        %sub3A_406 = vector.broadcast %sub3A_405 : f32 to vector<16xf32>
        %sub3A_407 = arith.subf %sub3A_406, %mul3A_404 : vector<16xf32>
        %mul3A_408 = arith.mulf %bitcast_convert_type3A_399, %sub3A_407 : vector<16xf32>
        %mul3A_409 = arith.constant 5.000000e-01 : f32
        %mul3A_410 = vector.broadcast %mul3A_409 : f32 to vector<16xf32>
        %mul3A_411 = arith.mulf %mul3A_410, %add3A_393 : vector<16xf32>
        %mul3A_412 = arith.mulf %mul3A_411, %mul3A_408 : vector<16xf32>
        %mul3A_413 = arith.mulf %mul3A_412, %mul3A_408 : vector<16xf32>
        %sub3A_414 = arith.constant 1.500000e+00 : f32
        %sub3A_415 = vector.broadcast %sub3A_414 : f32 to vector<16xf32>
        %sub3A_416 = arith.subf %sub3A_415, %mul3A_413 : vector<16xf32>
        %mul3A_417 = arith.mulf %mul3A_408, %sub3A_416 : vector<16xf32>
        %mul3A_418 = arith.constant 5.000000e-01 : f32
        %mul3A_419 = vector.broadcast %mul3A_418 : f32 to vector<16xf32>
        %mul3A_420 = arith.mulf %mul3A_419, %add3A_393 : vector<16xf32>
        %mul3A_421 = arith.mulf %mul3A_420, %mul3A_417 : vector<16xf32>
        %mul3A_422 = arith.mulf %mul3A_421, %mul3A_417 : vector<16xf32>
        %sub3A_423 = arith.constant 1.500000e+00 : f32
        %sub3A_424 = vector.broadcast %sub3A_423 : f32 to vector<16xf32>
        %sub3A_425 = arith.subf %sub3A_424, %mul3A_422 : vector<16xf32>
        %mul3A_426 = arith.mulf %mul3A_417, %sub3A_425 : vector<16xf32>
        %sub3A_427 = arith.subf %add3A_204, %mul3A_342 : vector<16xf32>
        %mul3A_428 = arith.mulf %sub3A_427, %mul3A_426 : vector<16xf32>
        %mul3A_429 = arith.mulf %mul3A_428, %get3A_15 : vector<16xf32>
        %add3A_430 = arith.addf %mul3A_429, %get3A_36 : vector<16xf32>
        %swap3A = arith.index_cast %scan3A_183 : i32 to index
        %swap3A_431 = arith.constant 0 : index
        %swap3A_432 = tpu.vector_load %arg19[%swap3A, %swap3A_431] {strides = array<i32>} : memref<128x100xf32, #tpu.memory_space<vmem>>, vector<1x16xf32>,
        %swap3A_433 = vector.shape_cast %swap3A_432 : vector<1x16xf32> to vector<16xf32>
        %swap3A_434 = vector.shape_cast %add3A_430 : vector<16xf32> to vector<1x16xf32>
        tpu.vector_store %arg19[%swap3A, %swap3A_431], %swap3A_434 {strides = array<i32>} : memref<128x100xf32, #tpu.memory_space<vmem>>, vector<1x16xf32>,
        %sub3A_435 = arith.subf %add3A_216, %mul3A_342 : vector<16xf32>
        %mul3A_436 = arith.mulf %sub3A_435, %mul3A_426 : vector<16xf32>
        %mul3A_437 = arith.mulf %mul3A_436, %get3A_18 : vector<16xf32>
        %add3A_438 = arith.addf %mul3A_437, %get3A_39 : vector<16xf32>
        %swap3A_439 = arith.index_cast %scan3A_183 : i32 to index
        %swap3A_440 = arith.constant 16 : index
        %swap3A_441 = tpu.vector_load %arg19[%swap3A_439, %swap3A_440] {strides = array<i32>} : memref<128x100xf32, #tpu.memory_space<vmem>>, vector<1x16xf32>,
        %swap3A_442 = vector.shape_cast %swap3A_441 : vector<1x16xf32> to vector<16xf32>
        %swap3A_443 = vector.shape_cast %add3A_438 : vector<16xf32> to vector<1x16xf32>
        tpu.vector_store %arg19[%swap3A_439, %swap3A_440], %swap3A_443 {strides = array<i32>} : memref<128x100xf32, #tpu.memory_space<vmem>>, vector<1x16xf32>,
        %sub3A_444 = arith.subf %add3A_228, %mul3A_342 : vector<16xf32>
        %mul3A_445 = arith.mulf %sub3A_444, %mul3A_426 : vector<16xf32>
        %mul3A_446 = arith.mulf %mul3A_445, %get3A_21 : vector<16xf32>
        %add3A_447 = arith.addf %mul3A_446, %get3A_42 : vector<16xf32>
        %swap3A_448 = arith.index_cast %scan3A_183 : i32 to index
        %swap3A_449 = arith.constant 32 : index
        %swap3A_450 = tpu.vector_load %arg19[%swap3A_448, %swap3A_449] {strides = array<i32>} : memref<128x100xf32, #tpu.memory_space<vmem>>, vector<1x16xf32>,
        %swap3A_451 = vector.shape_cast %swap3A_450 : vector<1x16xf32> to vector<16xf32>
        %swap3A_452 = vector.shape_cast %add3A_447 : vector<16xf32> to vector<1x16xf32>
        tpu.vector_store %arg19[%swap3A_448, %swap3A_449], %swap3A_452 {strides = array<i32>} : memref<128x100xf32, #tpu.memory_space<vmem>>, vector<1x16xf32>,
        %sub3A_453 = arith.subf %add3A_240, %mul3A_342 : vector<16xf32>
        %mul3A_454 = arith.mulf %sub3A_453, %mul3A_426 : vector<16xf32>
        %mul3A_455 = arith.mulf %mul3A_454, %get3A_24 : vector<16xf32>
        %add3A_456 = arith.addf %mul3A_455, %get3A_45 : vector<16xf32>
        %swap3A_457 = arith.index_cast %scan3A_183 : i32 to index
        %swap3A_458 = arith.constant 48 : index
        %swap3A_459 = tpu.vector_load %arg19[%swap3A_457, %swap3A_458] {strides = array<i32>} : memref<128x100xf32, #tpu.memory_space<vmem>>, vector<1x16xf32>,
        %swap3A_460 = vector.shape_cast %swap3A_459 : vector<1x16xf32> to vector<16xf32>
        %swap3A_461 = vector.shape_cast %add3A_456 : vector<16xf32> to vector<1x16xf32>
        tpu.vector_store %arg19[%swap3A_457, %swap3A_458], %swap3A_461 {strides = array<i32>} : memref<128x100xf32, #tpu.memory_space<vmem>>, vector<1x16xf32>,
        %sub3A_462 = arith.subf %add3A_252, %mul3A_342 : vector<16xf32>
        %mul3A_463 = arith.mulf %sub3A_462, %mul3A_426 : vector<16xf32>
        %mul3A_464 = arith.mulf %mul3A_463, %get3A_27 : vector<16xf32>
        %add3A_465 = arith.addf %mul3A_464, %get3A_48 : vector<16xf32>
        %swap3A_466 = arith.index_cast %scan3A_183 : i32 to index
        %swap3A_467 = arith.constant 64 : index
        %swap3A_468 = tpu.vector_load %arg19[%swap3A_466, %swap3A_467] {strides = array<i32>} : memref<128x100xf32, #tpu.memory_space<vmem>>, vector<1x16xf32>,
        %swap3A_469 = vector.shape_cast %swap3A_468 : vector<1x16xf32> to vector<16xf32>
        %swap3A_470 = vector.shape_cast %add3A_465 : vector<16xf32> to vector<1x16xf32>
        tpu.vector_store %arg19[%swap3A_466, %swap3A_467], %swap3A_470 {strides = array<i32>} : memref<128x100xf32, #tpu.memory_space<vmem>>, vector<1x16xf32>,
        %sub3A_471 = arith.subf %add3A_264, %mul3A_342 : vector<16xf32>
        %mul3A_472 = arith.mulf %sub3A_471, %mul3A_426 : vector<16xf32>
        %mul3A_473 = arith.mulf %mul3A_472, %get3A_30 : vector<16xf32>
        %add3A_474 = arith.addf %mul3A_473, %get3A_51 : vector<16xf32>
        %swap3A_475 = arith.index_cast %scan3A_183 : i32 to index
        %swap3A_476 = arith.constant 80 : index
        %swap3A_477 = tpu.vector_load %arg19[%swap3A_475, %swap3A_476] {strides = array<i32>} : memref<128x100xf32, #tpu.memory_space<vmem>>, vector<1x16xf32>,
        %swap3A_478 = vector.shape_cast %swap3A_477 : vector<1x16xf32> to vector<16xf32>
        %swap3A_479 = vector.shape_cast %add3A_474 : vector<16xf32> to vector<1x16xf32>
        tpu.vector_store %arg19[%swap3A_475, %swap3A_476], %swap3A_479 {strides = array<i32>} : memref<128x100xf32, #tpu.memory_space<vmem>>, vector<1x16xf32>,
        %sub3A_480 = arith.subf %add3A_276, %mul3A_342 : vector<16xf32>
        %mul3A_481 = arith.mulf %sub3A_480, %mul3A_426 : vector<16xf32>
        %mul3A_482 = arith.mulf %mul3A_481, %get3A_33 : vector<16xf32>
        %add3A_483 = arith.addf %mul3A_482, %get3A_54 : vector<16xf32>
        %swap3A_484 = arith.index_cast %scan3A_183 : i32 to index
        %swap3A_485 = arith.constant 84 : index
        %swap3A_486 = tpu.vector_load %arg19[%swap3A_484, %swap3A_485] {strides = array<i32>} : memref<128x100xf32, #tpu.memory_space<vmem>>, vector<1x16xf32>,
        %swap3A_487 = vector.shape_cast %swap3A_486 : vector<1x16xf32> to vector<16xf32>
        %swap3A_488 = vector.shape_cast %add3A_483 : vector<16xf32> to vector<1x16xf32>
        tpu.vector_store %arg19[%swap3A_484, %swap3A_485], %swap3A_488 {strides = array<i32>} : memref<128x100xf32, #tpu.memory_space<vmem>>, vector<1x16xf32>,
        %add3A_489 = arith.constant 1 : i32
        %add3A_490 = arith.addi %scan3A_184, %add3A_489 : i32
        %eq3A = arith.constant 200 : i32
        %eq3A_491 = arith.cmpi eq, %add3A_490, %eq3A : i32
        %jit3A_492 = arith.constant 0 : i32
        %select_n3A_493 = arith.select %eq3A_491, %jit3A_492, %add3A_490 : i32
        scf.yield %select_n3A_493 : i32
      }
      %scan3A_168 = arith.constant 128 : i32
      %mul3A_169 = arith.constant 6400 : i32
      %mul3A_170 = arith.muli %add3A, %mul3A_169 : i32
      %mul3A_171 = arith.constant 128 : i32
      %mul3A_172 = arith.muli %add3A_147, %mul3A_171 : i32
      %add3A_173 = arith.addi %mul3A_170, %mul3A_172 : i32
      %dma_start3A_174 = arith.constant 0 : i32
      %dma_start3A_175 = tpu.memref_slice %arg9[%add3A_173, %dma_start3A_174] : memref<204800x100xf32, #tpu.memory_space<hbm>> -> memref<128x100xf32, #tpu.memory_space<hbm>>
      %dma_start3A_176 = arith.constant 0 : i32
      %dma_start3A_177 = tpu.memref_slice %arg9[%add3A_173, %dma_start3A_176] : memref<204800x100xf32, #tpu.memory_space<hbm>> -> memref<128x100xf32, #tpu.memory_space<hbm>>
      tpu.enqueue_dma source(%arg19 : memref<128x100xf32, #tpu.memory_space<vmem>>) target(%dma_start3A_177 : memref<128x100xf32, #tpu.memory_space<hbm>>) target_semaphore(%arg23 : memref<!tpu.dma_semaphore, #tpu.memory_space<semaphore_mem>>)
      %lt3A_178 = arith.constant 24 : i32
      %lt3A_179 = arith.cmpi slt, %scan3A_109, %lt3A_178 : i32
      %convert_element_type3A_180 = arith.extui %lt3A_179 : i1 to i32
      %cond3A_181 = arith.constant 0 : i32
      %cond3A_182 = arith.cmpi ne, %convert_element_type3A_180, %cond3A_181 : i32
      scf.if %cond3A_182 {
        %add3A_183 = arith.constant 2 : i32
        %add3A_184 = arith.addi %add3A_147, %add3A_183 : i32
        %dma_start3A_185 = arith.constant 0 : i32
        %dma_start3A_186 = tpu.memref_slice %arg10[%add3A_184, %dma_start3A_185] : memref<50x128xi32, #tpu.memory_space<vmem>> -> memref<1x128xi32, #tpu.memory_space<vmem>>
        %dma_start3A_187 = tpu.memref_squeeze %dma_start3A_186 : memref<1x128xi32, #tpu.memory_space<vmem>> -> memref<128xi32, #tpu.memory_space<vmem>>
        %dma_start3A_188 = arith.constant 0 : i32
        %dma_start3A_189 = arith.constant 0 : i32
        %dma_start3A_190 = tpu.memref_slice %arg4[%dma_start3A_188, %dma_start3A_189] : memref<144844x200xf32, #tpu.memory_space<hbm>> -> memref<144844x200xf32, #tpu.memory_space<hbm>>
        tpu.enqueue_indirect_dma source(%dma_start3A_190 : memref<144844x200xf32, #tpu.memory_space<hbm>>) target(%arg17 : memref<128x200xf32, #tpu.memory_space<vmem>>) offsets(%dma_start3A_187 : memref<128xi32, #tpu.memory_space<vmem>>) semaphore(%arg21 : memref<!tpu.dma_semaphore, #tpu.memory_space<semaphore_mem>>)
      } else {
      }
    }
    %scan3A_93 = arith.constant 25 : i32
    %mul3A_94 = arith.constant 6400 : i32
    %mul3A_95 = arith.muli %add3A, %mul3A_94 : i32
    %add3A_96 = arith.constant 6144 : i32
    %add3A_97 = arith.addi %mul3A_95, %add3A_96 : i32
    %dma_wait3A = arith.constant 0 : i32
    %dma_wait3A_98 = tpu.memref_slice %arg9[%add3A_97, %dma_wait3A] : memref<204800x100xf32, #tpu.memory_space<hbm>> -> memref<128x100xf32, #tpu.memory_space<hbm>>
    %dma_wait3A_99 = arith.constant 0 : i32
    %dma_wait3A_100 = tpu.memref_slice %arg9[%add3A_97, %dma_wait3A_99] : memref<204800x100xf32, #tpu.memory_space<hbm>> -> memref<128x100xf32, #tpu.memory_space<hbm>>
    tpu.wait_dma2 semaphore(%arg22 : memref<!tpu.dma_semaphore, #tpu.memory_space<semaphore_mem>>) src(%arg18 : memref<128x100xf32, #tpu.memory_space<vmem>>) dst(%dma_wait3A_100 : memref<128x100xf32, #tpu.memory_space<hbm>>)
    %mul3A_101 = arith.constant 6400 : i32
    %mul3A_102 = arith.muli %add3A, %mul3A_101 : i32
    %add3A_103 = arith.constant 6272 : i32
    %add3A_104 = arith.addi %mul3A_102, %add3A_103 : i32
    %dma_wait3A_105 = arith.constant 0 : i32
    %dma_wait3A_106 = tpu.memref_slice %arg9[%add3A_104, %dma_wait3A_105] : memref<204800x100xf32, #tpu.memory_space<hbm>> -> memref<128x100xf32, #tpu.memory_space<hbm>>
    %dma_wait3A_107 = arith.constant 0 : i32
    %dma_wait3A_108 = tpu.memref_slice %arg9[%add3A_104, %dma_wait3A_107] : memref<204800x100xf32, #tpu.memory_space<hbm>> -> memref<128x100xf32, #tpu.memory_space<hbm>>
    tpu.wait_dma2 semaphore(%arg23 : memref<!tpu.dma_semaphore, #tpu.memory_space<semaphore_mem>>) src(%arg19 : memref<128x100xf32, #tpu.memory_space<vmem>>) dst(%dma_wait3A_108 : memref<128x100xf32, #tpu.memory_space<hbm>>)
    return
  }
}

</mosaic_0001>

<sc_bundles>
// kernel: kernel.3.cloned.1.call-start
scs
__scs_entry_jumppad:
0x0: {  	(pc) =	sbr.rel $0x88, $3  }
0x1: {  	(tag) =	ssettag $0x0;
	lr =	simm.s32 $0x1  }
0x2: {  	[smem:$0x3F9C] =	sst lr;
	_ =	strace $0xD0000000  }
0x3: {  	_ = 	snop  }
0x4: {  	_ = 	snop  }
0x5: {  	_ = 	snop  }
0x6: {  	_ = 	snop  }
0x7: {  	_ = 	snop  }
__scs_overlays_trampoline_lowered:
0x8: {  	[smem:$0x3FAB] =	sst s0  }
0x9: {  	[smem:$0x3FAC] =	sst s1  }
0xa: {  	[smem:$0x3FAD] =	sst s2  }
0xb: {  	[smem:$0x3FAE] =	sst s3  }
0xc: {  	[smem:$0x3FAF] =	sst s4  }
0xd: {  	[smem:$0x3FB0] =	sst s5  }
0xe: {  	[smem:$0x3FB1] =	sst s6  }
0xf: {  	[smem:$0x3FB2] =	sst s7  }
0x10: {  	[smem:$0x3FB3] =	sst s8  }
0x11: {  	[smem:$0x3FB4] =	sst s9;
	s0 =	simm.s32 @!p0 $0x0  }
0x12: {  	s1 =	sld [smem:$0x3F9A];
	s0 =	simm.s32 @p0 $0x1  }
0x13: {  	[smem:$0x3FB5] =	sst s0;
	s0 =	simm.s32 @!p1 $0x0  }
0x14: {  	s2 =	sld [smem:$0x3F99];
	s0 =	simm.s32 @p1 $0x1  }
0x15: {  	[smem:$0x3FB6] =	sst s0;
	s0 =	simm.s32 @!p2 $0x0  }
0x16: {  	s3 =	sld [smem:$0x3FDB];
	s0 =	simm.s32 @p2 $0x1  }
0x17: {  	s4 =	simm.s32 $0x1BF5;
	[smem:$0x3FB8] =	sst s0  }
0x18: {  	s0 =	sld [smem:$0x3F9B];
	_ =	swait.ge [sflag:s4], $0x0  }
0x19: {  	s7 =	sld [smem:$0x3F9C]  }
0x1a: {  	s8 =	sadd.s32 $0xFFFFE003, lr  }
0x1b: {  	s9 =	sadd.s32 $0xFFFFFEF7, lr;
	s5 =	simm.s32 $0xFFFFFFFF;
	p2 =	slt.u32 s8, $0xFFFFF086  }
0x1c: {  	p1 =	slt.u32 s9, $0xF7A;
	s5 =	simm.s32 @!p2 $0x0  }
0x1d: {  	s5 =	simm.s32 @p1 $0x1;
	p0 =	seq.s32 s7, s2  }
0x1e: {  	s7 =	smul.u32 @!p0 $0xF7A, s2;
	p2 =	seq.s32 @!p0 s5, $0x0  }
0x1f: {  	s9 =	smul.u32 $0xF7A, s1;
	s8 =	simm.s32 @!p0 $0x1BF5;
	p2 =	por !p2, p0  }
0x20: {  	[sflag:s8] =	ssyncset.s32 @!p0 $0xFFFFF086;
	s6 =	sadd.s32 @!p0 s3, s7;
	s7 =	simm.s32 @!p0 $0x108  }
0x21: {  	s3 =	sadd.s32 s3, s9;
	s6 =	sadd.s32 @!p0 $0x88, s6;
	s7 =	simm.s32 @p2 $0x1082  }
0x22: {  	[simem:s7], [sflag:s8] =	dma.local @!p0 [hbm:s6], $0xF7A  }
0x23: {  	s9 =	sor.u32 $0xD0000000, s2;
	s6 =	simm.s32 $0x108;
	_ =	swait.ge @!p0 [sflag:s8], $0x0  }
0x24: {  	s3 =	sadd.s32 $0x88, s3;
	s6 =	simm.s32 @!p1 $0x1082;
	[sflag:s4] =	ssyncset.s32 $0xFFFFF086  }
0x25: {  	[simem:s6], [sflag:s4] =	dma.local [hbm:s3], $0xF7A  }
0x26: {  	[smem:$0x3F9C] =	sst s1;
	(tag) =	ssettag s2;
	_ =	strace s9  }
0x27: {  	s1 =	sld [smem:$0x3FAC]  }
0x28: {  	s2 =	sld [smem:$0x3FAD]  }
0x29: {  	s4 =	sld [smem:$0x3FAF]  }
0x2a: {  	p0 =	seq.s32 s5, $0x0;
	s5 =	sld [smem:$0x3FB0]  }
0x2b: {  	s6 =	sld [smem:$0x3FB1]  }
0x2c: {  	s7 =	sld [smem:$0x3FB2]  }
0x2d: {  	s3 =	simm.s32 $0x108;
	s8 =	sld [smem:$0x3FB3]  }
0x2e: {  	s3 =	simm.s32 @!p0 $0x1082;
	s9 =	sld [smem:$0x3FB4]  }
0x2f: {  	lr =	sadd.s32 s0, s3;
	s0 =	sld [smem:$0x3FAB]  }
0x30: {  	s3 =	sld [smem:$0x3FAE]  }
0x31: {  	[smem:$0x3FB7] =	sst s10  }
0x32: {  	s10 =	sld [smem:$0x3FB5];
	_ =	sdelay $0x3  }
0x33: {  	p0 =	seq.s32 s10, $0x1;
	s10 =	sld [smem:$0x3FB7];
	_ =	sdelay $0x3  }
0x34: {  	[smem:$0x3FB7] =	sst s10  }
0x35: {  	s10 =	sld [smem:$0x3FB6];
	_ =	sdelay $0x3  }
0x36: {  	p1 =	seq.s32 s10, $0x1;
	s10 =	sld [smem:$0x3FB7];
	_ =	sdelay $0x3  }
0x37: {  	[smem:$0x3FB7] =	sst s10  }
0x38: {  	s10 =	sld [smem:$0x3FB8]  }
0x39: {  	_ = 	snop;
	(pc) =	sbr.ind lr, $3  }
0x3a: {  	_ = 	snop  }
0x3b: {  	_ = 	snop  }
0x3c: {  	p2 =	seq.s32 s10, $0x1;
	s10 =	sld [smem:$0x3FB7]  }
0x3d: {  	_ =	shalt  }
0x3e: {  	_ =	shalt  }
0x3f: {  	_ =	shalt  }
0x40: {  	_ =	shalt  }
0x41: {  	_ =	shalt  }
0x42: {  	_ =	shalt  }
0x43: {  	_ =	shalt  }
0x44: {  	_ =	shalt  }
0x45: {  	_ =	shalt  }
0x46: {  	_ =	shalt  }
0x47: {  	_ =	shalt  }
0x48: {  	_ =	shalt  }
0x49: {  	_ =	shalt  }
0x4a: {  	_ =	shalt  }
0x4b: {  	_ =	shalt  }
0x4c: {  	_ =	shalt  }
0x4d: {  	_ =	shalt  }
0x4e: {  	_ =	shalt  }
0x4f: {  	_ =	shalt  }
0x50: {  	_ =	shalt  }
0x51: {  	_ =	shalt  }
0x52: {  	_ =	shalt  }
0x53: {  	_ =	shalt  }
0x54: {  	_ =	shalt  }
0x55: {  	_ =	shalt  }
0x56: {  	_ =	shalt  }
0x57: {  	_ =	shalt  }
0x58: {  	_ =	shalt  }
0x59: {  	_ =	shalt  }
0x5a: {  	_ =	shalt  }
0x5b: {  	_ =	shalt  }
0x5c: {  	_ =	shalt  }
0x5d: {  	_ =	shalt  }
0x5e: {  	_ =	shalt  }
0x5f: {  	_ =	shalt  }
0x60: {  	_ =	shalt  }
0x61: {  	_ =	shalt  }
0x62: {  	_ =	shalt  }
0x63: {  	_ =	shalt  }
0x64: {  	_ =	shalt  }
0x65: {  	_ =	shalt  }
0x66: {  	_ =	shalt  }
0x67: {  	_ =	shalt  }
0x68: {  	_ =	shalt  }
0x69: {  	_ =	shalt  }
0x6a: {  	_ =	shalt  }
0x6b: {  	_ =	shalt  }
0x6c: {  	_ =	shalt  }
0x6d: {  	_ =	shalt  }
0x6e: {  	_ =	shalt  }
0x6f: {  	_ =	shalt  }
0x70: {  	_ =	shalt  }
0x71: {  	_ =	shalt  }
0x72: {  	_ =	shalt  }
0x73: {  	_ =	shalt  }
0x74: {  	_ =	shalt  }
0x75: {  	_ =	shalt  }
0x76: {  	_ =	shalt  }
0x77: {  	_ =	shalt  }
0x78: {  	_ =	shalt  }
0x79: {  	_ =	shalt  }
0x7a: {  	_ =	shalt  }
0x7b: {  	_ =	shalt  }
0x7c: {  	_ =	shalt  }
0x7d: {  	_ =	shalt  }
0x7e: {  	_ =	shalt  }
0x7f: {  	_ =	shalt  }
0x80: {  	_ =	shalt  }
0x81: {  	_ =	shalt  }
0x82: {  	_ =	shalt  }
0x83: {  	_ =	shalt  }
0x84: {  	_ =	shalt  }
0x85: {  	_ =	shalt  }
0x86: {  	_ =	shalt  }
0x87: {  	_ =	shalt  }
.Lfunc_end0:
.L_simem_size_0:
called_computation.2_lowered:
.L_overlay_start_0:
0x88: {  	s2 =	sld [smem:$0x3FD9]  }
0x89: {  	s3 =	sld [smem:$0x3FFE];
	_ =	sdelay $0x1  }
0x8a: {  	s1 =	srdreg.scid  }
0x8b: {  	s0 =	sand.u32 $0x1, s1  }
0x8c: {  	s17 =	sshll.u32 s0, $0xA;
	s2 =	sadd.s32 s3, s2  }
0x8d: {  	s2 =	sadd.s32 s2, s17  }
0x8e: {  	[smem:$0x3FC3] =	sst s2  }
0x8f: {  	_ = 	snop  }
0x90: {  	s2 =	sld [smem:$0x3FC6]  }
0x91: {  	s18 =	sld [smem:$0x3FC5]  }
0x92: {  	s4 =	sld [smem:$0x3FD0];
	(tm) =	ssettm $0x1  }
0x93: {  	s5 =	sld [smem:$0x3FFB];
	_ =	sdelay $0x3  }
0x94: {  	_ =	strace s5  }
0x95: {  	s5 =	sld [smem:$0x3FFC];
	_ =	sdelay $0x3  }
0x96: {  	_ =	strace s5  }
0x97: {  	s5 =	sld [smem:$0x3FFD];
	_ =	sdelay $0x3  }
0x98: {  	_ =	strace s5  }
0x99: {  	_ =	strace $0x8FFFFFFF  }
0x9a: {  	s19 =	sld [smem:$0x3FDB];
	_ =	sdelay $0x1  }
0x9b: {  	s6 =	simm.s32 $_scs_section_size  }
0x9c: {  	s7 =	simm.s32 $_size__tile_overlayer_lowered;
	s8 =	simm.s32 $_tile_overlayer_lowered  }
0x9d: {  	s22 =	simm.s32 $0x1BFF;
	s21 =	sshll.u32 s8, $0x1;
	s5 =	sadd.s32 s6, s19  }
0x9e: {  	s9 =	simm.s32 $0x0;
	s20 =	sshll.u32 s7, $0x1;
	s7 =	sadd.s32 s21, s5  }
0x9f: {  	[timem:s9], [sflag:s22] =	dma.local [hbm:s7], s20  }
0xa0: {  	_ =	swait.ge [sflag:s22], s20  }
0xa1: {  	s6 =	ssub.s32 $0x0, s20;
	[sflag:s22] =	ssyncset.done $0x0  }
0xa2: {  	[sflag:s22] =	ssyncadd.s32 s6;
	_ =	sdelay $0x1  }
0xa3: {  	s23 =	simm.s32 $0x1B8B  }
0xa4: {  	_ =	swait.ge [sflag:s23], $0x1  }
0xa5: {  	[sflag:s23] =	ssyncset.done $0x0  }
0xa6: {  	s25 =	simm.s32 $0x1B8E;
	s24 =	sld [smem:$0x3FFE];
	[sflag:s23] =	ssyncadd.s32 $0xFFFFFFFF  }
0xa7: {  	s26 =	simm.s32 $execute0_lowered;
	[smem:$0x3FD2] =	sst s25  }
0xa8: {  	s7 =	sshll.u32 s26, $0x1;
	_ =	strace $0x80000049;
	[dreg:$0x1] =	wrdreg $0xFFFFFFFF  }
0xa9: {  	s28 =	simm.s32 $_size_execute0_lowered;
	s5 =	sadd.s32 s5, s7;
	[dreg:$0x0] =	wrdreg $0x0  }
0xaa: {  	s7 =	sshll.u32 s28, $0x1;
	[dreg:$0x2] =	wrdreg s5  }
0xab: {  	[dreg:$0x3] =	wrdreg s7  }
0xac: {  	[dreg:$0x4] =	wrdreg $0xC0  }
0xad: {  	_ =	task [dreg:s9], $0x5FFFF  }
0xae: {  	[dreg:$0x1] =	wrdreg $0xFFFFFFFF  }
0xaf: {  	[dreg:$0x0] =	wrdreg $0x60  }
0xb0: {  	[dreg:$0x2] =	wrdreg s24  }
0xb1: {  	[dreg:$0x3] =	wrdreg s4  }
0xb2: {  	[dreg:$0x4] =	wrdreg s2  }
0xb3: {  	[dreg:$0x5] =	wrdreg s18  }
0xb4: {  	[dreg:$0x6] =	wrdreg $0x9  }
0xb5: {  	_ =	task.clear_ibuf [dreg:s9], $0x7FFFF;
	_ =	strace $0x90000049  }
0xb6: {  	s29 =	simm.s32 $0x9;
	_ =	strace $0x8000004B  }
0xb7: {  	_ =	swait.ge [sflag:s29], $0x1  }
0xb8: {  	[sflag:s29] =	ssyncadd.s32 $0xFFFFFFFF  }
0xb9: {  	_ =	strace $0x9000004B  }
0xba: {  	_ =	sfence  }
0xbb: {  	s30 =	sld [smem:$0x0];
	_ =	sdelay $0x2  }
0xbc: {  	s31 =	sshll.u32 s1, $0xD;
	s1 =	sshrl.u32 s1, $0x2  }
0xbd: {  	s3 =	sand.u32 $0x4000, s31;
	s1 =	sadd.s32 s1, s30  }
0xbe: {  	s0 =	sor.u32 s3, s0;
	s1 =	sshll.u32 s1, $0x11  }
0xbf: {  	s0 =	sor.u32 s1, s0  }
0xc0: {  	s0 =	sadd.s32 $0x8F2B, s0  }
0xc1: {  	[sflag:s0] =	ssyncadd.remote.s32 $0x1  }
0xc2: {  	_ =	sfence.sel $0xFFFF  }
0xc3: {  	[dreg:$0x0] =	wrdreg $0xFFFFFFFF;
	(pc) =	sbr.abs _section_cstart, $3  }
0xc4: {  	[dreg:$0x1] =	wrdreg $0xFFFFFFFF  }
0xc5: {  	_ =	task.clear_ibuf [dreg:s9], $0x2FFFF;
	_ =	strace $0x9FFFFFFF  }
0xc6: {  	(tm) =	ssettm $0x7FFFFFFF  }
0xc7: {  	_ =	shalt  }
tec
execute0_lowered:
.L_overlay_start_1:
0x0: {  	(tag) =	ssettag $0x1  }
0x1: {  	s0 =	rddreg [dreg:$0x0]  }
0x2: {  	s1 =	rddreg [dreg:$0x1]  }
0x3: {  	s2 =	srdreg.scid;
	s3 =	stileid.u32;
	v0 =	vimm.s32 $0xFEDCBA98  }
0x4: {  	s4 =	simm.s32 $0x0;
	v1 =	vimm.s32 $0x76543210;
	v2 =	vimm.s32 $0xBA98FEDC;
	v3 =	vimm.s32 $0x32107654;
	s13 =	simm.s32 $0x5;
	s19 =	simm.s32 $0x80  }
0x5: {  	v4 =	vimm.s32 $0xDCFE98BA;
	v5 =	vimm.s32 $0x54761032;
	s21 =	simm.s32 $0xEB98;
	s22 =	simm.s32 $0x1;
	s23 =	simm.s32 $0x14F98  }
0x6: {  	v6 =	vimm.s32 $0xEFCDAB89;
	v7 =	vimm.s32 $0x67452301;
	s24 =	simm.s32 $0x2;
	s25 =	simm.s32 $0x18398;
	s2 =	sand.u32 $0x1, s2  }
0x7: {  	s3 =	sshll.u32 s3, $0x1;
	[smem:$0x7FF] =	sst s4;
	v0 =	vunpack.c.l.s4.s8 v0;
	s6 =	sadd.s32 $0x473C00, s0;
	v1 =	vunpack.c.l.s4.s8 v1;
	v2 =	vunpack.c.l.s4.s8 v2  }
0x8: {  	s7 =	sadd.s32 $0x473A00, s0;
	s26 =	sadd.s32 $0x472E00, s0;
	v3 =	vunpack.c.l.s4.s8 v3;
	v4 =	vunpack.c.l.s4.s8 v4;
	v5 =	vunpack.c.l.s4.s8 v5;
	s3 =	sor.u32 s2, s3  }
0x9: {  	v6 =	vunpack.c.l.s4.s8 v6;
	v7 =	vunpack.c.l.s4.s8 v7;
	_ =	strace $0x8000004A;
	[dreg:$0x7] =	wrdreg s7;
	s5 =	smul.u32 $0x1900, s3;
	v0 =	vunpack.c.0.s8.s32 v0  }
0xa: {  	[dreg:$0x8] =	wrdreg s26;
	s2 =	ssub.s32 $0x2, s2;
	s3 =	smul.u32 $0x384, s3;
	v2 =	vunpack.c.0.s8.s32 v2;
	v3 =	vunpack.c.0.s8.s32 v3;
	v4 =	vunpack.c.0.s8.s32 v4  }
.Ltmp0:
0xb: {  	s11 =	sshrl.u32 s2, $0x1;
	v5 =	vunpack.c.0.s8.s32 v5;
	v6 =	vunpack.c.0.s8.s32 v6;
	v7 =	vunpack.c.0.s8.s32 v7;
	s9 =	sshrl.u32 s5, $0x3;
	(pc) =	sbr.rel .LBB2_1-.Ltmp0, $4  }
0xc: {  	v1 =	vunpack.c.0.s8.s32 v1;
	s30 =	ssub.s32 s2, s11;
	s1 =	sadd.s32 s1, s3;
	v2 =	vcombine.low v3, v2;
	s10 =	sadd.s32 s9, s0  }
0xd: {  	v3 =	vcombine.low v5, v4;
	v4 =	vcombine.low v7, v6;
	v0 =	vand.u32 $0xF, v0;
	s9 =	sadd.s32 $0x1000, s0;
	[dreg:$0xa] =	wrdreg s1;
	s0 =	smax.u32 s30, $0x1  }
0xe: {  	vm0 =	vmmov $0xfff;
	s28 =	simm.s32 $0x4;
	v0 =	vcombine.low v0, v1;
	s31 =	sadd.s32 $0x46CA00, s10;
	[dreg:$0xb] =	wrdreg s0  }
0xf: {  	s29 =	simm.s32 $0x0;
	s26 =	simm.s32 $0x3;
	v1 =	vand.u32 $0xF, v2;
	v2 =	vand.u32 $0xF, v3;
	v3 =	vand.u32 $0xF, v4;
	[dreg:$0x9] =	wrdreg s31  }
.LBB2_8:
0x10: {  	_ =	swait.ge [sflag:s26], $0x3400  }
0x11: {  	[sflag:s26] =	ssyncset.done $0x0  }
0x12: {  	[sflag:s26] =	ssyncadd.s32 $0xFFFFCC00  }
0x13: {  	_ =	swait.ge [sflag:s28], $0x3400  }
0x14: {  	s29 =	sadd.s32 $0x1, s29;
	s0 =	rddreg [dreg:$0xb]  }
0x15: {  	p0 =	sne.s32 s29, s0  }
.Ltmp1:
0x16: {  	_ = 	snop;
	(pc) =	sbr.rel @!p0 .LBB2_9-.Ltmp1, $3  }
0x17: {  	_ =	sdelay $0x1  }
0x18: {  	[sflag:s28] =	ssyncset.done $0x0  }
0x19: {  	[sflag:s28] =	ssyncadd.s32 $0xFFFFCC00  }
.LBB2_1:
0x1a: {  	s0 =	rddreg [dreg:$0x9]  }
0x1b: {  	[tilespmem:s4], [sflag:$0x5] =	stream.linear.gather [hbm4b:s0+s4], $0x1900, $0x38;
	[tilespmem:$0x1B798] =	vst v63  }
0x1c: {  	_ =	swait.ge [sflag:s13], $0x1900  }
0x1d: {  	[sflag:s13] =	ssyncset.done $0x0  }
0x1e: {  	s1 =	simm.s32 $0x1900;
	s10 =	rddreg [dreg:$0xa];
	[sflag:s13] =	ssyncadd.s32 $0xFFFFE700  }
0x1f: {  	[tilespmem:s1], [sflag:$0x5] =	stream.linear.gather [hbm4b:s10+s4], $0x1C20, $0x38;
	[tilespmem:$0x1B798] =	vst v63  }
0x20: {  	_ =	swait.ge [sflag:s13], $0x1C20  }
0x21: {  	[sflag:s13] =	ssyncset.done $0x0  }
0x22: {  	s12 =	simm.s32 $0x3520;
	s11 =	rddreg [dreg:$0x8];
	[sflag:s13] =	ssyncadd.s32 $0xFFFFE3E0  }
0x23: {  	[tilespmem:s12], [sflag:$0x5] =	stream.linear.gather [hbm4b:s11+s4], $0x5140, $0x38;
	[tilespmem:$0x1B798] =	vst v63  }
0x24: {  	_ =	swait.ge [sflag:s13], $0x5140  }
0x25: {  	[sflag:s13] =	ssyncset.done $0x0  }
0x26: {  	[sflag:s13] =	ssyncadd.s32 $0xFFFFAEC0  }
0x27: {  	s15 =	simm.s32 $0x8660;
	s14 =	rddreg [dreg:$0x2]  }
0x28: {  	[tilespmem:s15], [sflag:$0x5] =	stream.linear.gather [hbm4b:s14+s4], $0x68, $0x38;
	[tilespmem:$0x1B798] =	vst v63  }
0x29: {  	_ =	swait.ge [sflag:s13], $0x68  }
0x2a: {  	[sflag:s13] =	ssyncset.done $0x0  }
0x2b: {  	[sflag:s13] =	ssyncadd.s32 $0xFFFFFF98  }
0x2c: {  	s17 =	simm.s32 $0x86C8;
	s16 =	rddreg [dreg:$0x3]  }
0x2d: {  	[tilespmem:s17], [sflag:$0x5] =	stream.linear.gather [hbm4b:s16+s4], $0x68, $0x38;
	[tilespmem:$0x1B798] =	vst v63  }
0x2e: {  	_ =	swait.ge [sflag:s13], $0x68  }
0x2f: {  	[sflag:s13] =	ssyncset.done $0x0  }
0x30: {  	s20 =	simm.s32 $0x8730;
	s18 =	rddreg [dreg:$0x7];
	[sflag:s13] =	ssyncadd.s32 $0xFFFFFF98  }
0x31: {  	[tilespmem:s20], [sflag:$0x5] =	stream.linear.gather [hbm4b:s18+s4], $0x68, $0x38;
	[tilespmem:$0x1B798] =	vst v63  }
0x32: {  	_ =	swait.ge [sflag:s13], $0x68  }
0x33: {  	[sflag:s13] =	ssyncset.done $0x0  }
0x34: {  	[sflag:s13] =	ssyncadd.s32 $0xFFFFFF98  }
0x35: {  	v4 =	vld [tilespmem:$0x8660]  }
0x36: {  	v5 =	vld [tilespmem:$0x8670]  }
0x37: {  	v6 =	vld [tilespmem:$0x8680]  }
0x38: {  	v7 =	vld [tilespmem:$0x8690]  }
0x39: {  	v8 =	vld [tilespmem:$0x86A0]  }
0x3a: {  	v9 =	vld [tilespmem:$0x86B0]  }
0x3b: {  	v10 =	vld [tilespmem:$0x86B4]  }
0x3c: {  	v11 =	vld [tilespmem:$0x86C8]  }
0x3d: {  	v12 =	vld [tilespmem:$0x86D8]  }
0x3e: {  	v13 =	vld [tilespmem:$0x86E8]  }
0x3f: {  	v14 =	vld [tilespmem:$0x86F8]  }
0x40: {  	v15 =	vld [tilespmem:$0x8708]  }
0x41: {  	v16 =	vld [tilespmem:$0x8718]  }
0x42: {  	v17 =	vld [tilespmem:$0x871C]  }
0x43: {  	v18 =	vld [tilespmem:$0x8730]  }
0x44: {  	v19 =	vld [tilespmem:$0x8740]  }
0x45: {  	v20 =	vld [tilespmem:$0x8750]  }
0x46: {  	v21 =	vld [tilespmem:$0x8760]  }
0x47: {  	v22 =	vld [tilespmem:$0x8770]  }
0x48: {  	s31 =	simm.s32 $0x8798;
	v23 =	vld [tilespmem:$0x8780]  }
0x49: {  	v24 =	vld [tilespmem:$0x8784];
	[tilespmem:s31], [sflag:$0x1] =	stream.indirect.gather [hbm4b:s6+s19], $0xC8, s4, s19, $0xb8  }
0x4a: {  	s30 =	simm.s32 $0x0  }
0x4b: {  	[tilespmem:s21], [sflag:$0x2] =	stream.indirect.gather [hbm4b:s6+s19], $0xC8, s19, s19, $0xb8;
	[tilespmem:$0x1B798] =	vst v63  }
.LBB2_2:
0x4c: {  	s0 =	smul.u32 $0x480, s30  }
0x4d: {  	_ =	swait.ge [sflag:s22], $0x6400  }
0x4e: {  	p0 =	seq.s32 s30, $0x0;
	[sflag:s22] =	ssyncset.done $0x0;
	s0 =	sshra.s32 s0, $0x2  }
0x4f: {  	s1 =	simm.s32 @!p0 $0x3;
	[sflag:s22] =	ssyncadd.s32 $0xFFFF9C00;
	s0 =	sadd.s32 $0x1900, s0  }
0x50: {  	_ =	swait.ge @!p0 [sflag:s1], $0x3400;
	[dreg:$0x5] =	wrdreg s0;
	s0 =	simm.s32 $0x0  }
0x51: {  	s2 =	rddreg [dreg:$0x5];
	s3 =	sand.u32 $0x78, s0  }
0x52: {  	[sflag:s1] =	ssyncset.done @!p0 $0x0;
	s14 =	sand.u32 $0x7, s0;
	s2 =	sadd.s32 s3, s2  }
0x53: {  	[sflag:s1] =	ssyncadd.s32 @!p0 $0xFFFFCC00;
	s16 =	sadd.s32 s14, s2  }
0x54: {  	v25 =	vld [tilespmem:s16+$0x0];
	_ =	sdelay $0x4  }
0x55: {  	(v2sf) =	vpush v25, $0x0;
	_ =	sdelay $0x4  }
0x56: {  	s17 =	sshll.u32 s30, $0x5  }
0x57: {  	s1 =	sand.u32 $0x1FE0, s17  }
0x58: {  	s1 =	smul.u32 $0x147B, s1;
	_ =	sdelay $0x1  }
0x59: {  	s1 =	sshrl.u32 s1, $0x11  }
0x5a: {  	s1 =	smul.u32 $0xC8, s1  }
0x5b: {  	s31 =	sshll.u32 s30, $0x8  }
0x5c: {  	s1 =	ssub.s32 s31, s1  }
0x5d: {  	s2 =	sand.u32 $0xFFF8, s1  }
0x5e: {  	s1 =	smul.u32 $0x1A0, s2  }
0x5f: {  	s18 =	spop (v2sf)  }
0x60: {  	s1 =	sshra.s32 s1, $0x2;
	s20 =	sand.u32 $0x1, s18  }
0x61: {  	s14 =	simm.s32 $0x190;
	v25 =	vld [tilespmem:s1+$0x3570];
	p1 =	seq.s32 s20, $0x1  }
0x62: {  	v26 =	vld [tilespmem:s1+$0x3560];
	s14 =	simm.s32 @!p1 $0x0  }
0x63: {  	v27 =	vld [tilespmem:s1+$0x3574];
	p6 =	sgt.s32 s18, $0x1;
	s7 =	sadd.s32 $0x0, s14;
	s15 =	sadd.s32 $0xC0, s14  }
0x64: {  	v28 =	vld [tilespmem:s1+$0x3530];
	s16 =	sadd.s32 $0x100, s14;
	s17 =	sadd.s32 $0x150, s14;
	s18 =	sadd.s32 $0x80, s14  }
0x65: {  	v31 =	vld [tilespmem:s1+$0x3520];
	s20 =	sadd.s32 $0x140, s14;
	s14 =	sand.u32 $0x10, s14;
	s3 =	sshra.s32 s7, $0x2  }
0x66: {  	s15 =	sand.u32 $0x3C0, s15;
	s17 =	sshrl.u32 s17, $0x2;
	s8 =	sand.u32 $0x380, s16;
	v29 =	vld [tilespmem:s3+$0x87A8]  }
0x67: {  	s11 =	sand.u32 $0x380, s18;
	s12 =	sand.u32 $0x3C0, s20;
	v30 =	vld [tilespmem:s3+$0x8798];
	s3 =	sor.u32 s14, s8  }
0x68: {  	v33 =	vld [tilespmem:s1+$0x3540];
	s10 =	sadd.s32 $0x0, s17;
	s17 =	sor.u32 s14, s11;
	s3 =	sshrl.u32 s3, $0x2  }
0x69: {  	s18 =	sor.u32 s14, s12;
	v32 =	vld [tilespmem:s10+$0x8798];
	s17 =	sshrl.u32 s17, $0x2;
	s3 =	sadd.s32 $0x0, s3  }
0x6a: {  	s14 =	sor.u32 s14, s15;
	s16 =	sshrl.u32 s18, $0x2;
	s17 =	sadd.s32 $0x0, s17;
	v34 =	vld [tilespmem:s3+$0x8798]  }
0x6b: {  	s14 =	sshrl.u32 s14, $0x2;
	s20 =	sadd.s32 $0x0, s16;
	v35 =	vld [tilespmem:s17+$0x8798];
	v29 =	vpsel p6, v19, v29  }
0x6c: {  	s14 =	sadd.s32 $0x0, s14;
	v30 =	vpsel p6, v18, v30;
	v28 =	vadd.f32 v28, v29;
	v29 =	vld [tilespmem:s20+$0x8798]  }
0x6d: {  	v30 =	vadd.f32 v30, v31;
	v31 =	vld [tilespmem:s14+$0x8798]  }
0x6e: {  	v36 =	vld [tilespmem:s1+$0x3550];
	v32 =	vpsel p6, v24, v32  }
0x6f: {  	v27 =	vadd.f32 v27, v32;
	v37 =	vmul.f32 v30, v30  }
0x70: {  	v38 =	vmul.f32 v28, v28;
	v34 =	vpsel p6, v22, v34;
	v35 =	vpsel p6, v20, v35  }
0x71: {  	v33 =	vadd.f32 v33, v35;
	v34 =	vadd.f32 v26, v34;
	v29 =	vpsel p6, v23, v29  }
0x72: {  	v26 =	vsel vm0, $0x0, v27;
	v31 =	vpsel p6, v21, v31;
	v25 =	vadd.f32 v25, v29  }
0x73: {  	v37 =	vadd.f32 v38, v37;
	v57 =	vmul.f32 v34, v34;
	v56 =	vadd.f32 v36, v31  }
0x74: {  	v39 =	vmul.f32 v33, v33;
	v31 =	vadd.f32 v25, v34;
	v58 =	vmul.f32 v25, v25  }
0x75: {  	v29 =	vadd.f32 v28, v30;
	v59 =	vadd.f32 v56, v33;
	v40 =	vmul.f32 v56, v56  }
0x76: {  	v31 =	vadd.f32 v26, v31;
	v26 =	vmul.f32 v26, v26;
	v32 =	vadd.f32 v58, v57  }
0x77: {  	v29 =	vadd.f32 v59, v29;
	v60 =	vadd.f32 v40, v39  }
0x78: {  	v26 =	vadd.f32 v26, v32  }
0x79: {  	v29 =	vadd.f32 v31, v29;
	v31 =	vadd.f32 v60, v37;
	_ =	sdelay $0x1  }
0x7a: {  	v26 =	vadd.f32 v26, v31;
	v31 =	vperm.xlane v29, v0;
	_ =	sdelay $0x1  }
0x7b: {  	v29 =	vadd.f32 v29, v31;
	v31 =	vperm.xlane v26, v0;
	_ =	sdelay $0x1  }
0x7c: {  	v61 =	vperm.xlane v29, v1;
	v26 =	vadd.f32 v31, v26;
	_ =	sdelay $0x1  }
0x7d: {  	v29 =	vadd.f32 v29, v61;
	v31 =	vperm.xlane v26, v1;
	_ =	sdelay $0x1  }
0x7e: {  	v32 =	vperm.xlane v29, v2;
	v26 =	vadd.f32 v31, v26;
	_ =	sdelay $0x1  }
0x7f: {  	v29 =	vadd.f32 v29, v32;
	v31 =	vperm.xlane v26, v2;
	_ =	sdelay $0x1  }
0x80: {  	v32 =	vperm.xlane v29, v3;
	v26 =	vadd.f32 v31, v26;
	_ =	sdelay $0x1  }
0x81: {  	v29 =	vadd.f32 v29, v32;
	v31 =	vperm.xlane v26, v3;
	_ =	sdelay $0x1  }
0x82: {  	v62 =	vmul.f32 $9.999999770e-03, v29;
	v26 =	vadd.f32 v31, v26;
	_ =	sdelay $0x1  }
0x83: {  	v26 =	vmul.f32 $9.999999770e-03, v26;
	v29 =	vmul.f32 v62, v62;
	_ =	sdelay $0x1  }
0x84: {  	v26 =	vsub.f32 v26, v29;
	_ =	sdelay $0x1  }
0x85: {  	v26 =	vadd.f32 $9.999999970e-07, v26;
	_ =	sdelay $0x1  }
0x86: {  	v29 =	vshrl.u32 v26, $0x1;
	v31 =	vmul.f32 $5.000000000e-01, v26  }
0x87: {  	v26 =	vsub.s32 $0x5F3759DF, v29  }
0x88: {  	v29 =	vmul.f32 v26, v31;
	_ =	sdelay $0x1  }
0x89: {  	v29 =	vmul.f32 v26, v29;
	_ =	sdelay $0x1  }
0x8a: {  	v29 =	vsub.f32 $1.500000000e+00, v29;
	_ =	sdelay $0x1  }
0x8b: {  	v26 =	vmul.f32 v26, v29;
	_ =	sdelay $0x1  }
0x8c: {  	v29 =	vmul.f32 v26, v31;
	_ =	sdelay $0x1  }
0x8d: {  	v29 =	vmul.f32 v29, v26;
	_ =	sdelay $0x1  }
0x8e: {  	v29 =	vsub.f32 $1.500000000e+00, v29;
	_ =	sdelay $0x1  }
0x8f: {  	v32 =	vmul.f32 v29, v26  }
0x90: {  	v29 =	vsub.f32 v25, v62  }
0x91: {  	v26 =	vsub.f32 v30, v62;
	v30 =	vsub.f32 v27, v62;
	v63 =	vmul.f32 v32, v31  }
0x92: {  	s1 =	sshll.u32 s30, $0x1;
	s15 =	simm.s32 $0x320;
	s14 =	sadd.s32 $0x1, s2;
	v27 =	vsub.f32 v56, v62;
	v25 =	vsub.f32 v34, v62  }
0x93: {  	s3 =	simm.s32 $0x14FC8;
	s2 =	simm.s32 $0x14FC8;
	p2 =	seq.s32 s14, $0xC8;
	v31 =	vsub.f32 v28, v62;
	v28 =	vsub.f32 v33, v62;
	v33 =	vmul.f32 v63, v32  }
.LBB2_3:
0x94: {  	_ = 	snop  }
0x95: {  	v33 =	vsub.f32 $1.500000000e+00, v33;
	_ =	sdelay $0x1  }
0x96: {  	v32 =	vmul.f32 v33, v32;
	_ =	sdelay $0x1  }
0x97: {  	v29 =	vmul.f32 v32, v29  }
0x98: {  	v31 =	vmul.f32 v32, v31  }
0x99: {  	v28 =	vmul.f32 v32, v28;
	v29 =	vmul.f32 v29, v9  }
0x9a: {  	v26 =	vmul.f32 v32, v26;
	v31 =	vmul.f32 v31, v5  }
0x9b: {  	v27 =	vmul.f32 v32, v27;
	v28 =	vmul.f32 v28, v6;
	v29 =	vadd.f32 v29, v16  }
0x9c: {  	v25 =	vmul.f32 v32, v25;
	v26 =	vmul.f32 v26, v4;
	v31 =	vadd.f32 v31, v12  }
0x9d: {  	v30 =	vmul.f32 v32, v30;
	v27 =	vmul.f32 v27, v7;
	v28 =	vadd.f32 v28, v13;
	[tilespmem:s2+$0x20] =	vst v29  }
0x9e: {  	v25 =	vmul.f32 v25, v8;
	v26 =	vadd.f32 v26, v11;
	[tilespmem:s2+$0xFFFFFFE0] =	vst v31  }
0x9f: {  	v30 =	vmul.f32 v30, v10;
	v27 =	vadd.f32 v27, v14;
	[tilespmem:s2+$0xFFFFFFF0] =	vst v28  }
0xa0: {  	s0 =	sadd.s32 $0x1, s0;
	v25 =	vadd.f32 v25, v15;
	[tilespmem:s2+$0xFFFFFFD0] =	vst v26  }
0xa1: {  	s17 =	rddreg [dreg:$0x5];
	s18 =	sand.u32 $0x78, s0;
	v30 =	vadd.f32 v30, v17;
	[tilespmem:s2+$0x0] =	vst v27  }
0xa2: {  	s20 =	sand.u32 $0x7, s0;
	s17 =	sadd.s32 s18, s17;
	[tilespmem:s2+$0x10] =	vst v25  }
0xa3: {  	s17 =	sadd.s32 s20, s17;
	[tilespmem:s2+$0x24] =	vst v30  }
0xa4: {  	v25 =	vld [tilespmem:s17+$0x0];
	_ =	sdelay $0x4  }
0xa5: {  	(v2sf) =	vpush v25, $0x0;
	_ =	sdelay $0xc  }
0xa6: {  	s14 =	simm.s32 @p2 $0x0  }
0xa7: {  	s7 =	smul.u32 $0x1A0, s14  }
0xa8: {  	s8 =	spop (v2sf)  }
0xa9: {  	s17 =	sshra.s32 s7, $0x2;
	s10 =	sand.u32 $0x1, s8  }
0xaa: {  	s16 =	smov.u32 s15;
	s20 =	simm.s32 $0x190;
	v26 =	vld [tilespmem:s17+$0x3560];
	p2 =	seq.s32 s10, $0x1  }
0xab: {  	s18 =	sshra.s32 s16, $0x2;
	v27 =	vld [tilespmem:s17+$0x3574];
	s20 =	simm.s32 @!p2 $0x0  }
0xac: {  	v28 =	vld [tilespmem:s17+$0x3530];
	p6 =	sgt.s32 s8, $0x1;
	s16 =	sadd.s32 s20, s16;
	s7 =	sadd.s32 $0xC0, s20  }
0xad: {  	v31 =	vld [tilespmem:s17+$0x3520];
	s8 =	sadd.s32 $0x100, s20;
	s10 =	sadd.s32 $0x150, s20;
	s16 =	sshra.s32 s16, $0x2  }
0xae: {  	s11 =	sadd.s32 $0x80, s20;
	s12 =	sadd.s32 $0x140, s20;
	s20 =	sand.u32 $0x10, s20;
	v29 =	vld [tilespmem:s16+$0x87A8]  }
0xaf: {  	s7 =	sand.u32 $0x3C0, s7;
	s10 =	sshrl.u32 s10, $0x2;
	s8 =	sand.u32 $0x380, s8;
	v30 =	vld [tilespmem:s16+$0x8798]  }
0xb0: {  	v52 =	vld [tilespmem:s17+$0x3540];
	s11 =	sand.u32 $0x380, s11;
	s12 =	sand.u32 $0x3C0, s12;
	s8 =	sor.u32 s20, s8  }
0xb1: {  	v25 =	vld [tilespmem:s17+$0x3570];
	s10 =	sadd.s32 s18, s10;
	s11 =	sor.u32 s20, s11;
	s8 =	sshrl.u32 s8, $0x2  }
0xb2: {  	s12 =	sor.u32 s20, s12;
	v51 =	vld [tilespmem:s10+$0x8798];
	s11 =	sshrl.u32 s11, $0x2;
	s8 =	sadd.s32 s18, s8  }
0xb3: {  	s7 =	sor.u32 s20, s7;
	s16 =	sshrl.u32 s12, $0x2;
	s10 =	sadd.s32 s18, s11;
	v34 =	vld [tilespmem:s8+$0x8798];
	v29 =	vpsel p6, v19, v29  }
0xb4: {  	s7 =	sshrl.u32 s7, $0x2;
	s20 =	sadd.s32 s18, s16;
	v30 =	vpsel p6, v18, v30;
	v28 =	vadd.f32 v28, v29;
	v29 =	vld [tilespmem:s10+$0x8798]  }
0xb5: {  	s7 =	sadd.s32 s18, s7;
	v30 =	vadd.f32 v30, v31;
	v31 =	vld [tilespmem:s20+$0x8798]  }
0xb6: {  	v35 =	vld [tilespmem:s7+$0x8798]  }
0xb7: {  	v36 =	vld [tilespmem:s17+$0x3550];
	v32 =	vpsel p6, v24, v51  }
0xb8: {  	v27 =	vadd.f32 v27, v32;
	v37 =	vmul.f32 v30, v30  }
0xb9: {  	v38 =	vmul.f32 v28, v28;
	v34 =	vpsel p6, v22, v34;
	v29 =	vpsel p6, v20, v29  }
0xba: {  	v53 =	vadd.f32 v26, v34;
	v33 =	vadd.f32 v52, v29;
	v29 =	vpsel p6, v23, v31  }
0xbb: {  	v26 =	vsel vm0, $0x0, v27;
	v31 =	vpsel p6, v21, v35;
	v25 =	vadd.f32 v25, v29  }
0xbc: {  	v37 =	vadd.f32 v38, v37;
	v55 =	vmul.f32 v53, v53;
	v54 =	vadd.f32 v36, v31  }
0xbd: {  	v29 =	vadd.f32 v28, v30;
	v31 =	vadd.f32 v25, v53;
	v56 =	vmul.f32 v25, v25  }
0xbe: {  	v39 =	vmul.f32 v33, v33;
	v57 =	vadd.f32 v54, v33;
	v40 =	vmul.f32 v54, v54  }
0xbf: {  	v31 =	vadd.f32 v26, v31;
	v26 =	vmul.f32 v26, v26;
	v35 =	vadd.f32 v56, v55  }
0xc0: {  	v29 =	vadd.f32 v57, v29;
	v58 =	vadd.f32 v40, v39  }
0xc1: {  	v26 =	vadd.f32 v26, v35  }
0xc2: {  	v29 =	vadd.f32 v31, v29;
	v31 =	vadd.f32 v58, v37;
	_ =	sdelay $0x1  }
0xc3: {  	v26 =	vadd.f32 v26, v31;
	v31 =	vperm.xlane v29, v0;
	_ =	sdelay $0x1  }
0xc4: {  	v29 =	vadd.f32 v29, v31;
	v31 =	vperm.xlane v26, v0;
	_ =	sdelay $0x1  }
0xc5: {  	v59 =	vperm.xlane v29, v1;
	v26 =	vadd.f32 v31, v26;
	_ =	sdelay $0x1  }
0xc6: {  	v29 =	vadd.f32 v29, v59;
	v31 =	vperm.xlane v26, v1;
	_ =	sdelay $0x1  }
0xc7: {  	v35 =	vperm.xlane v29, v2;
	v26 =	vadd.f32 v31, v26;
	_ =	sdelay $0x1  }
0xc8: {  	v29 =	vadd.f32 v29, v35;
	v31 =	vperm.xlane v26, v2;
	_ =	sdelay $0x1  }
0xc9: {  	v35 =	vperm.xlane v29, v3;
	v26 =	vadd.f32 v31, v26;
	_ =	sdelay $0x1  }
0xca: {  	v29 =	vadd.f32 v29, v35;
	v31 =	vperm.xlane v26, v3;
	_ =	sdelay $0x1  }
0xcb: {  	v35 =	vmul.f32 $9.999999770e-03, v29;
	v26 =	vadd.f32 v31, v26;
	_ =	sdelay $0x1  }
0xcc: {  	v31 =	vmul.f32 $9.999999770e-03, v26;
	v60 =	vmul.f32 v35, v35;
	_ =	sdelay $0x1  }
0xcd: {  	v29 =	vsub.f32 v25, v35;
	v25 =	vsub.f32 v31, v60;
	_ =	sdelay $0x1  }
0xce: {  	v61 =	vadd.f32 $9.999999970e-07, v25  }
0xcf: {  	v31 =	vsub.f32 v28, v35  }
0xd0: {  	v28 =	vsub.f32 v33, v35;
	v62 =	vshrl.u32 v61, $0x1;
	v33 =	vmul.f32 $5.000000000e-01, v61  }
0xd1: {  	v32 =	vsub.s32 $0x5F3759DF, v62  }
0xd2: {  	v63 =	vmul.f32 v32, v33;
	_ =	sdelay $0x1  }
0xd3: {  	v34 =	vmul.f32 v32, v63;
	_ =	sdelay $0x1  }
0xd4: {  	v34 =	vsub.f32 $1.500000000e+00, v34;
	_ =	sdelay $0x1  }
0xd5: {  	v32 =	vmul.f32 v32, v34;
	_ =	sdelay $0x1  }
0xd6: {  	v34 =	vmul.f32 v32, v33;
	_ =	sdelay $0x1  }
0xd7: {  	v34 =	vmul.f32 v34, v32;
	_ =	sdelay $0x1  }
0xd8: {  	v34 =	vsub.f32 $1.500000000e+00, v34  }
0xd9: {  	p1 =	sne.s32 s15, $0x18CE0  }
.Ltmp2:
0xda: {  	v32 =	vmul.f32 v34, v32;
	(pc) =	sbr.rel @p1 .LBB2_3-.Ltmp2, $4  }
0xdb: {  	_ = 	snop  }
0xdc: {  	v33 =	vmul.f32 v32, v33  }
0xdd: {  	s3 =	sadd.s32 $0x68, s3;
	s14 =	sadd.s32 $0x1, s14;
	v26 =	vsub.f32 v30, v35;
	v30 =	vsub.f32 v27, v35  }
0xde: {  	s15 =	sadd.s32 $0x320, s15;
	s2 =	smov.u32 s3;
	p2 =	seq.s32 s14, $0xC8;
	v27 =	vsub.f32 v54, v35;
	v25 =	vsub.f32 v53, v35;
	v33 =	vmul.f32 v33, v32  }
0xdf: {  	_ = 	snop  }
0xe0: {  	v33 =	vsub.f32 $1.500000000e+00, v33;
	_ =	sdelay $0x1  }
0xe1: {  	v32 =	vmul.f32 v33, v32;
	_ =	sdelay $0x1  }
0xe2: {  	v29 =	vmul.f32 v32, v29  }
0xe3: {  	v31 =	vmul.f32 v32, v31  }
0xe4: {  	v28 =	vmul.f32 v32, v28;
	v29 =	vmul.f32 v29, v9  }
0xe5: {  	v26 =	vmul.f32 v32, v26;
	v31 =	vmul.f32 v31, v5  }
0xe6: {  	v27 =	vmul.f32 v32, v27;
	v28 =	vmul.f32 v28, v6;
	v29 =	vadd.f32 v29, v16  }
0xe7: {  	v25 =	vmul.f32 v32, v25;
	v26 =	vmul.f32 v26, v4;
	v31 =	vadd.f32 v31, v12  }
0xe8: {  	v30 =	vmul.f32 v32, v30;
	v27 =	vmul.f32 v27, v7;
	v28 =	vadd.f32 v28, v13;
	[tilespmem:s2+$0x20] =	vst v29  }
0xe9: {  	v25 =	vmul.f32 v25, v8;
	v26 =	vadd.f32 v26, v11;
	[tilespmem:s2+$0xFFFFFFE0] =	vst v31  }
0xea: {  	v30 =	vmul.f32 v30, v10;
	v27 =	vadd.f32 v27, v14;
	[tilespmem:s2+$0xFFFFFFF0] =	vst v28  }
0xeb: {  	s0 =	sadd.s32 s5, s31;
	v25 =	vadd.f32 v25, v15;
	[tilespmem:s2+$0xFFFFFFD0] =	vst v26  }
0xec: {  	s0 =	smul.u32 $0xD, s0;
	v30 =	vadd.f32 v30, v17;
	[tilespmem:s2+$0x0] =	vst v27  }
0xed: {  	[tilespmem:s2+$0x10] =	vst v25  }
0xee: {  	p1 =	seq.s32 s30, $0x18;
	s0 =	sadd.s32 s9, s0;
	[tilespmem:s2+$0x24] =	vst v30  }
0xef: {  	[hbm4b:s0+s4] =	stream.linear.scatter [tilespmem:s23], [sflag:$0x3], $0x3400, $0x38;
	[tilespmem:$0x1B798] =	vst v63  }
0xf0: {  	s0 =	sshll.u32 @!p1 s30, $0x8  }
0xf1: {  	s20 =	sor.u32 $0x1, s1;
	s3 =	simm.s32 @!p1 $0x8798;
	s0 =	sand.u32 @!p1 $0x3FFFFF00, s0  }
0xf2: {  	s1 =	smul.u32 $0x240, s20;
	s2 =	simm.s32 @!p1 $0x80;
	s0 =	sadd.s32 @!p1 $0x100, s0  }
0xf3: {  	[tilespmem:s3], [sflag:$0x1] =	stream.indirect.gather @!p1 [hbm4b:s6+s2], $0xC8, s0, s2, $0xb8;
	[tilespmem:$0x1B798] =	vst v63  }
0xf4: {  	_ =	swait.ge [sflag:s24], $0x6400  }
0xf5: {  	s1 =	sshra.s32 s1, $0x2;
	[sflag:s24] =	ssyncset.done $0x0  }
0xf6: {  	s1 =	sadd.s32 $0x1900, s1;
	s2 =	simm.s32 @!p0 $0x4;
	[sflag:s24] =	ssyncadd.s32 $0xFFFF9C00  }
0xf7: {  	_ =	swait.ge @!p0 [sflag:s2], $0x3400;
	[dreg:$0x6] =	wrdreg s1;
	s1 =	simm.s32 $0x0  }
0xf8: {  	s10 =	rddreg [dreg:$0x6];
	s7 =	sand.u32 $0x78, s1  }
0xf9: {  	[sflag:s2] =	ssyncset.done @!p0 $0x0;
	s8 =	sand.u32 $0x7, s1;
	s3 =	sadd.s32 s7, s10  }
0xfa: {  	[sflag:s2] =	ssyncadd.s32 @!p0 $0xFFFFCC00;
	s11 =	sadd.s32 s8, s3  }
0xfb: {  	v25 =	vld [tilespmem:s11+$0x0];
	_ =	sdelay $0x4  }
0xfc: {  	(v2sf) =	vpush v25, $0x0;
	_ =	sdelay $0x6  }
0xfd: {  	s0 =	sshll.u32 s20, $0x7  }
0xfe: {  	s12 =	smulhi.u32 $0x51EB851F, s0;
	_ =	sdelay $0x1  }
0xff: {  	s2 =	sshrl.u32 s12, $0x6  }
0x100: {  	s2 =	smul.u32 $0xC8, s2;
	_ =	sdelay $0x1  }
0x101: {  	s2 =	ssub.s32 s0, s2  }
0x102: {  	s14 =	smul.u32 $0x1A0, s2  }
0x103: {  	s15 =	spop (v2sf)  }
0x104: {  	s3 =	sshra.s32 s14, $0x2;
	s16 =	sand.u32 $0x1, s15  }
0x105: {  	s8 =	simm.s32 $0x190;
	v25 =	vld [tilespmem:s3+$0x3570];
	p0 =	seq.s32 s16, $0x1  }
0x106: {  	v26 =	vld [tilespmem:s3+$0x3560];
	s8 =	simm.s32 @!p0 $0x0  }
0x107: {  	v27 =	vld [tilespmem:s3+$0x3574];
	p6 =	sgt.s32 s15, $0x1;
	s17 =	sadd.s32 $0x0, s8;
	s10 =	sadd.s32 $0xC0, s8  }
0x108: {  	v28 =	vld [tilespmem:s3+$0x3530];
	s11 =	sadd.s32 $0x100, s8;
	s12 =	sadd.s32 $0x150, s8;
	s14 =	sadd.s32 $0x80, s8  }
0x109: {  	v31 =	vld [tilespmem:s3+$0x3520];
	s15 =	sadd.s32 $0x140, s8;
	s8 =	sand.u32 $0x10, s8;
	s7 =	sshra.s32 s17, $0x2  }
0x10a: {  	s10 =	sand.u32 $0x3C0, s10;
	s12 =	sshrl.u32 s12, $0x2;
	s18 =	sand.u32 $0x380, s11;
	v29 =	vld [tilespmem:s7+$0xEBA8]  }
0x10b: {  	s16 =	sand.u32 $0x380, s14;
	s17 =	sand.u32 $0x3C0, s15;
	v30 =	vld [tilespmem:s7+$0xEB98];
	s7 =	sor.u32 s8, s18  }
0x10c: {  	v55 =	vld [tilespmem:s3+$0x3540];
	s20 =	sadd.s32 $0x0, s12;
	s12 =	sor.u32 s8, s16;
	s7 =	sshrl.u32 s7, $0x2  }
0x10d: {  	s18 =	sor.u32 s8, s17;
	v54 =	vld [tilespmem:s20+$0xEB98];
	s12 =	sshrl.u32 s12, $0x2;
	s7 =	sadd.s32 $0x0, s7  }
0x10e: {  	s8 =	sor.u32 s8, s10;
	s11 =	sshrl.u32 s18, $0x2;
	s12 =	sadd.s32 $0x0, s12;
	v34 =	vld [tilespmem:s7+$0xEB98]  }
0x10f: {  	s8 =	sshrl.u32 s8, $0x2;
	s20 =	sadd.s32 $0x0, s11;
	v35 =	vld [tilespmem:s12+$0xEB98];
	v29 =	vpsel p6, v19, v29  }
0x110: {  	s8 =	sadd.s32 $0x0, s8;
	v30 =	vpsel p6, v18, v30;
	v28 =	vadd.f32 v28, v29;
	v29 =	vld [tilespmem:s20+$0xEB98]  }
0x111: {  	v30 =	vadd.f32 v30, v31;
	v31 =	vld [tilespmem:s8+$0xEB98]  }
0x112: {  	v36 =	vld [tilespmem:s3+$0x3550];
	v32 =	vpsel p6, v24, v54  }
0x113: {  	v56 =	vadd.f32 v27, v32;
	v37 =	vmul.f32 v30, v30  }
0x114: {  	v38 =	vmul.f32 v28, v28;
	v34 =	vpsel p6, v22, v34;
	v35 =	vpsel p6, v20, v35  }
0x115: {  	v33 =	vadd.f32 v55, v35;
	v34 =	vadd.f32 v26, v34;
	v29 =	vpsel p6, v23, v29  }
0x116: {  	v37 =	vadd.f32 v38, v37;
	v27 =	vpsel p6, v21, v31;
	v25 =	vadd.f32 v25, v29  }
0x117: {  	v57 =	vmul.f32 v34, v34;
	v39 =	vmul.f32 v33, v33;
	v26 =	vadd.f32 v36, v27  }
0x118: {  	v27 =	vsel vm0, $0x0, v56;
	v31 =	vadd.f32 v25, v34;
	v58 =	vmul.f32 v25, v25  }
0x119: {  	v29 =	vadd.f32 v28, v30;
	v59 =	vadd.f32 v26, v33;
	v40 =	vmul.f32 v26, v26  }
0x11a: {  	v31 =	vadd.f32 v27, v31;
	v27 =	vmul.f32 v27, v27;
	v32 =	vadd.f32 v58, v57  }
0x11b: {  	v29 =	vadd.f32 v59, v29;
	v60 =	vadd.f32 v40, v39  }
0x11c: {  	v27 =	vadd.f32 v27, v32  }
0x11d: {  	v29 =	vadd.f32 v31, v29;
	v31 =	vadd.f32 v60, v37;
	_ =	sdelay $0x1  }
0x11e: {  	v27 =	vadd.f32 v27, v31;
	v31 =	vperm.xlane v29, v0;
	_ =	sdelay $0x1  }
0x11f: {  	v29 =	vadd.f32 v29, v31;
	v31 =	vperm.xlane v27, v0;
	_ =	sdelay $0x1  }
0x120: {  	v61 =	vperm.xlane v29, v1;
	v27 =	vadd.f32 v31, v27;
	_ =	sdelay $0x1  }
0x121: {  	v29 =	vadd.f32 v29, v61;
	v31 =	vperm.xlane v27, v1;
	_ =	sdelay $0x1  }
0x122: {  	v32 =	vperm.xlane v29, v2;
	v27 =	vadd.f32 v31, v27;
	_ =	sdelay $0x1  }
0x123: {  	v29 =	vadd.f32 v29, v32;
	v31 =	vperm.xlane v27, v2;
	_ =	sdelay $0x1  }
0x124: {  	v32 =	vperm.xlane v29, v3;
	v27 =	vadd.f32 v31, v27;
	_ =	sdelay $0x1  }
0x125: {  	v29 =	vadd.f32 v29, v32;
	v31 =	vperm.xlane v27, v3;
	_ =	sdelay $0x1  }
0x126: {  	v62 =	vmul.f32 $9.999999770e-03, v29;
	v27 =	vadd.f32 v31, v27;
	_ =	sdelay $0x1  }
0x127: {  	v27 =	vmul.f32 $9.999999770e-03, v27;
	v29 =	vmul.f32 v62, v62;
	_ =	sdelay $0x1  }
0x128: {  	v27 =	vsub.f32 v27, v29;
	_ =	sdelay $0x1  }
0x129: {  	v27 =	vadd.f32 $9.999999970e-07, v27;
	_ =	sdelay $0x1  }
0x12a: {  	v29 =	vshrl.u32 v27, $0x1;
	v31 =	vmul.f32 $5.000000000e-01, v27  }
0x12b: {  	v27 =	vsub.s32 $0x5F3759DF, v29  }
0x12c: {  	v29 =	vmul.f32 v27, v31;
	_ =	sdelay $0x1  }
0x12d: {  	v29 =	vmul.f32 v27, v29;
	_ =	sdelay $0x1  }
0x12e: {  	v29 =	vsub.f32 $1.500000000e+00, v29;
	_ =	sdelay $0x1  }
0x12f: {  	v27 =	vmul.f32 v27, v29;
	_ =	sdelay $0x1  }
0x130: {  	v29 =	vmul.f32 v27, v31;
	_ =	sdelay $0x1  }
0x131: {  	v29 =	vmul.f32 v29, v27;
	_ =	sdelay $0x1  }
0x132: {  	v29 =	vsub.f32 $1.500000000e+00, v29;
	_ =	sdelay $0x1  }
0x133: {  	v32 =	vmul.f32 v29, v27  }
0x134: {  	v26 =	vsub.f32 v26, v62  }
0x135: {  	v29 =	vsub.f32 v25, v62;
	v27 =	vsub.f32 v30, v62;
	v63 =	vmul.f32 v32, v31  }
0x136: {  	s3 =	simm.s32 $0x183C8;
	s14 =	sadd.s32 $0x1, s2;
	v30 =	vsub.f32 v56, v62;
	v25 =	vsub.f32 v34, v62  }
0x137: {  	s15 =	simm.s32 $0x320;
	s2 =	simm.s32 $0x183C8;
	p2 =	seq.s32 s14, $0xC8;
	v31 =	vsub.f32 v28, v62;
	v28 =	vsub.f32 v33, v62;
	v33 =	vmul.f32 v63, v32  }
.LBB2_5:
0x138: {  	_ = 	snop  }
0x139: {  	v33 =	vsub.f32 $1.500000000e+00, v33;
	_ =	sdelay $0x1  }
0x13a: {  	v32 =	vmul.f32 v33, v32;
	_ =	sdelay $0x1  }
0x13b: {  	v29 =	vmul.f32 v32, v29  }
0x13c: {  	v31 =	vmul.f32 v32, v31  }
0x13d: {  	v28 =	vmul.f32 v32, v28;
	v29 =	vmul.f32 v29, v9  }
0x13e: {  	v27 =	vmul.f32 v32, v27;
	v31 =	vmul.f32 v31, v5  }
0x13f: {  	v26 =	vmul.f32 v32, v26;
	v28 =	vmul.f32 v28, v6;
	v29 =	vadd.f32 v29, v16  }
0x140: {  	v25 =	vmul.f32 v32, v25;
	v27 =	vmul.f32 v27, v4;
	v31 =	vadd.f32 v31, v12  }
0x141: {  	v30 =	vmul.f32 v32, v30;
	v26 =	vmul.f32 v26, v7;
	v28 =	vadd.f32 v28, v13;
	[tilespmem:s2+$0x20] =	vst v29  }
0x142: {  	v25 =	vmul.f32 v25, v8;
	v27 =	vadd.f32 v27, v11;
	[tilespmem:s2+$0xFFFFFFE0] =	vst v31  }
0x143: {  	v30 =	vmul.f32 v30, v10;
	v26 =	vadd.f32 v26, v14;
	[tilespmem:s2+$0xFFFFFFF0] =	vst v28  }
0x144: {  	s1 =	sadd.s32 $0x1, s1;
	v25 =	vadd.f32 v25, v15;
	[tilespmem:s2+$0xFFFFFFD0] =	vst v27  }
0x145: {  	s7 =	rddreg [dreg:$0x6];
	s8 =	sand.u32 $0x78, s1;
	v30 =	vadd.f32 v30, v17;
	[tilespmem:s2+$0x0] =	vst v26  }
0x146: {  	s10 =	sand.u32 $0x7, s1;
	s7 =	sadd.s32 s8, s7;
	[tilespmem:s2+$0x10] =	vst v25  }
0x147: {  	s7 =	sadd.s32 s10, s7;
	[tilespmem:s2+$0x24] =	vst v30  }
0x148: {  	v25 =	vld [tilespmem:s7+$0x0];
	_ =	sdelay $0x4  }
0x149: {  	(v2sf) =	vpush v25, $0x0;
	_ =	sdelay $0xc  }
0x14a: {  	s14 =	simm.s32 @p2 $0x0  }
0x14b: {  	s10 =	smul.u32 $0x1A0, s14  }
0x14c: {  	s11 =	spop (v2sf)  }
0x14d: {  	s17 =	sshra.s32 s10, $0x2;
	s12 =	sand.u32 $0x1, s11  }
0x14e: {  	s16 =	smov.u32 s15;
	s7 =	simm.s32 $0x190;
	v26 =	vld [tilespmem:s17+$0x3560];
	p2 =	seq.s32 s12, $0x1  }
0x14f: {  	s8 =	sshra.s32 s16, $0x2;
	v27 =	vld [tilespmem:s17+$0x3574];
	s7 =	simm.s32 @!p2 $0x0  }
0x150: {  	v28 =	vld [tilespmem:s17+$0x3530];
	p6 =	sgt.s32 s11, $0x1;
	s16 =	sadd.s32 s7, s16;
	s11 =	sadd.s32 $0xC0, s7  }
0x151: {  	v31 =	vld [tilespmem:s17+$0x3520];
	s12 =	sadd.s32 $0x100, s7;
	s18 =	sadd.s32 $0x80, s7;
	s10 =	sshra.s32 s16, $0x2  }
0x152: {  	s20 =	sadd.s32 $0x140, s7;
	s11 =	sand.u32 $0x3C0, s11;
	s16 =	sadd.s32 $0x150, s7;
	v29 =	vld [tilespmem:s10+$0xEBA8]  }
0x153: {  	s7 =	sand.u32 $0x10, s7;
	s18 =	sand.u32 $0x380, s18;
	v30 =	vld [tilespmem:s10+$0xEB98];
	s10 =	sand.u32 $0x380, s12  }
0x154: {  	v50 =	vld [tilespmem:s17+$0x3540];
	s20 =	sand.u32 $0x3C0, s20;
	s16 =	sshrl.u32 s16, $0x2;
	s10 =	sor.u32 s7, s10  }
0x155: {  	v25 =	vld [tilespmem:s17+$0x3570];
	s12 =	sadd.s32 s8, s16;
	s16 =	sor.u32 s7, s18;
	s10 =	sshrl.u32 s10, $0x2  }
0x156: {  	s18 =	sor.u32 s7, s20;
	v49 =	vld [tilespmem:s12+$0xEB98];
	s16 =	sshrl.u32 s16, $0x2;
	s10 =	sadd.s32 s8, s10  }
0x157: {  	s7 =	sor.u32 s7, s11;
	s18 =	sshrl.u32 s18, $0x2;
	s12 =	sadd.s32 s8, s16;
	v34 =	vld [tilespmem:s10+$0xEB98];
	v29 =	vpsel p6, v19, v29  }
0x158: {  	s7 =	sshrl.u32 s7, $0x2;
	s20 =	sadd.s32 s8, s18;
	v30 =	vpsel p6, v18, v30;
	v28 =	vadd.f32 v28, v29;
	v29 =	vld [tilespmem:s12+$0xEB98]  }
0x159: {  	s7 =	sadd.s32 s8, s7;
	v30 =	vadd.f32 v30, v31;
	v31 =	vld [tilespmem:s20+$0xEB98]  }
0x15a: {  	v35 =	vld [tilespmem:s7+$0xEB98]  }
0x15b: {  	v36 =	vld [tilespmem:s17+$0x3550];
	v37 =	vmul.f32 v30, v30;
	v38 =	vmul.f32 v28, v28  }
0x15c: {  	v32 =	vpsel p6, v24, v49  }
0x15d: {  	v34 =	vpsel p6, v22, v34;
	v37 =	vadd.f32 v38, v37;
	v29 =	vpsel p6, v20, v29  }
0x15e: {  	v51 =	vadd.f32 v26, v34;
	v33 =	vadd.f32 v50, v29;
	v29 =	vpsel p6, v23, v31  }
0x15f: {  	v31 =	vadd.f32 v27, v32;
	v27 =	vpsel p6, v21, v35;
	v25 =	vadd.f32 v25, v29  }
0x160: {  	v52 =	vmul.f32 v51, v51;
	v26 =	vadd.f32 v36, v27;
	v29 =	vadd.f32 v28, v30  }
0x161: {  	v27 =	vsel vm0, $0x0, v31;
	v34 =	vadd.f32 v25, v51;
	v53 =	vmul.f32 v25, v25  }
0x162: {  	v39 =	vmul.f32 v33, v33;
	v54 =	vadd.f32 v26, v33;
	v40 =	vmul.f32 v26, v26  }
0x163: {  	v34 =	vadd.f32 v27, v34;
	v27 =	vmul.f32 v27, v27;
	v35 =	vadd.f32 v53, v52  }
0x164: {  	v29 =	vadd.f32 v54, v29;
	v55 =	vadd.f32 v40, v39  }
0x165: {  	v27 =	vadd.f32 v27, v35  }
0x166: {  	v29 =	vadd.f32 v34, v29;
	v56 =	vadd.f32 v55, v37;
	_ =	sdelay $0x1  }
0x167: {  	v27 =	vadd.f32 v27, v56;
	v57 =	vperm.xlane v29, v0;
	_ =	sdelay $0x1  }
0x168: {  	v29 =	vadd.f32 v29, v57;
	v58 =	vperm.xlane v27, v0;
	_ =	sdelay $0x1  }
0x169: {  	v59 =	vperm.xlane v29, v1;
	v27 =	vadd.f32 v58, v27;
	_ =	sdelay $0x1  }
0x16a: {  	v29 =	vadd.f32 v29, v59;
	v34 =	vperm.xlane v27, v1;
	_ =	sdelay $0x1  }
0x16b: {  	v35 =	vperm.xlane v29, v2;
	v27 =	vadd.f32 v34, v27;
	_ =	sdelay $0x1  }
0x16c: {  	v29 =	vadd.f32 v29, v35;
	v34 =	vperm.xlane v27, v2;
	_ =	sdelay $0x1  }
0x16d: {  	v35 =	vperm.xlane v29, v3;
	v27 =	vadd.f32 v34, v27;
	_ =	sdelay $0x1  }
0x16e: {  	v29 =	vadd.f32 v29, v35;
	v34 =	vperm.xlane v27, v3;
	_ =	sdelay $0x1  }
0x16f: {  	v35 =	vmul.f32 $9.999999770e-03, v29;
	v27 =	vadd.f32 v34, v27;
	_ =	sdelay $0x1  }
0x170: {  	v34 =	vmul.f32 $9.999999770e-03, v27;
	v60 =	vmul.f32 v35, v35;
	_ =	sdelay $0x1  }
0x171: {  	v29 =	vsub.f32 v25, v35;
	v25 =	vsub.f32 v34, v60;
	_ =	sdelay $0x1  }
0x172: {  	v27 =	vsub.f32 v30, v35;
	v61 =	vadd.f32 $9.999999970e-07, v25  }
0x173: {  	v30 =	vsub.f32 v31, v35;
	v31 =	vsub.f32 v28, v35  }
0x174: {  	v28 =	vsub.f32 v33, v35;
	v62 =	vshrl.u32 v61, $0x1;
	v33 =	vmul.f32 $5.000000000e-01, v61  }
0x175: {  	v32 =	vsub.s32 $0x5F3759DF, v62  }
0x176: {  	v63 =	vmul.f32 v32, v33;
	_ =	sdelay $0x1  }
0x177: {  	v34 =	vmul.f32 v32, v63;
	_ =	sdelay $0x1  }
0x178: {  	v34 =	vsub.f32 $1.500000000e+00, v34;
	_ =	sdelay $0x1  }
0x179: {  	v32 =	vmul.f32 v32, v34;
	_ =	sdelay $0x1  }
0x17a: {  	v34 =	vmul.f32 v32, v33;
	_ =	sdelay $0x1  }
0x17b: {  	v34 =	vmul.f32 v34, v32;
	_ =	sdelay $0x1  }
0x17c: {  	v34 =	vsub.f32 $1.500000000e+00, v34  }
0x17d: {  	p0 =	sne.s32 s15, $0x18CE0  }
.Ltmp3:
0x17e: {  	v32 =	vmul.f32 v34, v32;
	(pc) =	sbr.rel @p0 .LBB2_5-.Ltmp3, $4  }
0x17f: {  	_ = 	snop  }
0x180: {  	v33 =	vmul.f32 v32, v33  }
0x181: {  	s3 =	sadd.s32 $0x68, s3;
	s14 =	sadd.s32 $0x1, s14  }
0x182: {  	s15 =	sadd.s32 $0x320, s15;
	s2 =	smov.u32 s3;
	p2 =	seq.s32 s14, $0xC8;
	v26 =	vsub.f32 v26, v35;
	v25 =	vsub.f32 v51, v35;
	v33 =	vmul.f32 v33, v32  }
0x183: {  	_ = 	snop  }
0x184: {  	v33 =	vsub.f32 $1.500000000e+00, v33;
	_ =	sdelay $0x1  }
0x185: {  	v32 =	vmul.f32 v33, v32;
	_ =	sdelay $0x1  }
0x186: {  	v29 =	vmul.f32 v32, v29  }
0x187: {  	v31 =	vmul.f32 v32, v31  }
0x188: {  	v28 =	vmul.f32 v32, v28;
	v29 =	vmul.f32 v29, v9  }
0x189: {  	v27 =	vmul.f32 v32, v27;
	v31 =	vmul.f32 v31, v5  }
0x18a: {  	v26 =	vmul.f32 v32, v26;
	v28 =	vmul.f32 v28, v6;
	v29 =	vadd.f32 v29, v16  }
0x18b: {  	v25 =	vmul.f32 v32, v25;
	v27 =	vmul.f32 v27, v4;
	v31 =	vadd.f32 v31, v12  }
0x18c: {  	v30 =	vmul.f32 v32, v30;
	v26 =	vmul.f32 v26, v7;
	v28 =	vadd.f32 v28, v13;
	[tilespmem:s2+$0x20] =	vst v29  }
0x18d: {  	v25 =	vmul.f32 v25, v8;
	v27 =	vadd.f32 v27, v11;
	[tilespmem:s2+$0xFFFFFFE0] =	vst v31  }
0x18e: {  	v30 =	vmul.f32 v30, v10;
	v26 =	vadd.f32 v26, v14;
	[tilespmem:s2+$0xFFFFFFF0] =	vst v28  }
.Ltmp4:
0x18f: {  	s0 =	sadd.s32 s5, s0;
	v25 =	vadd.f32 v25, v15;
	[tilespmem:s2+$0xFFFFFFD0] =	vst v27;
	(pc) =	sbr.rel @p1 .LBB2_8-.Ltmp4, $4  }
0x190: {  	s0 =	smul.u32 $0xD, s0;
	v30 =	vadd.f32 v30, v17;
	[tilespmem:s2+$0x0] =	vst v26  }
0x191: {  	[tilespmem:s2+$0x10] =	vst v25  }
0x192: {  	s0 =	sadd.s32 s9, s0;
	[tilespmem:s2+$0x24] =	vst v30  }
0x193: {  	[hbm4b:s0+s4] =	stream.linear.scatter [tilespmem:s25], [sflag:$0x4], $0x3400, $0x38;
	[tilespmem:$0x1B798] =	vst v63  }
.Ltmp5:
0x194: {  	(pc) =	sbr.rel .LBB2_2-.Ltmp5, $4  }
0x195: {  	_ = 	snop  }
0x196: {  	s0 =	sand.u32 $0x3FFFFF00, s31  }
0x197: {  	s30 =	sadd.s32 $0x1, s30;
	s0 =	sadd.s32 $0x180, s0  }
0x198: {  	[tilespmem:s21], [sflag:$0x2] =	stream.indirect.gather [hbm4b:s6+s19], $0xC8, s0, s19, $0xb8;
	[tilespmem:$0x1B798] =	vst v63  }
.LBB2_9:
0x199: {  	_ =	sfence.sel $0x180000  }
0x19a: {  	[bflag:$0x0] =	sbarrier.arrive $0xFFFF  }
0x19b: {  	_ =	strace $0x9000004A  }
0x19c: {  	s0 =	stileid.u32;
	[bflag:$0x2] =	sbarrier.arrive $0xFFFF  }
0x19d: {  	p0 =	sne.s32 s0, $0x0;
	s0 =	rddreg [dreg:$0x4]  }
0x19e: {  	s0 =	sadd.s32 @!p0 $0x100000, s0  }
0x19f: {  	[sflag:s0] =	ssyncadd.tile.s32 @!p0 $0x1;
	_ =	shalt  }
.Lfunc_end2:
_tile_overlayer_lowered:
.L_overlay_start_2:
0x1a0: {  	(tag) =	ssettag $0x2  }
0x1a1: {  	s0 =	rddreg [dreg:$0x0];
	s2 =	stileid.u32  }
0x1a2: {  	s1 =	rddreg [dreg:$0x1];
	p0 =	sne.s32 s2, $0x0  }
0x1a3: {  	s3 =	rddreg [dreg:$0x2];
	[bflag:$0x3] =	sbarrier.arrive $0xFFFF;
	s2 =	simm.s32 @!p0 $0x1C05  }
0x1a4: {  	[timem:s3], [sflag:s2] =	dma.local @!p0 [hbm:s0], s1  }
0x1a5: {  	s0 =	simm.s32 @!p0 $0x5  }
0x1a6: {  	_ =	swait.ge @!p0 [sflag:s0], s1  }
0x1a7: {  	s1 =	ssub.s32 @!p0 $0x0, s1;
	[sflag:s0] =	ssyncset.done @!p0 $0x0  }
0x1a8: {  	[sflag:s0] =	ssyncadd.s32 @!p0 s1  }
0x1a9: {  	[bflag:$0x3] =	sbarrier.arrive $0xFFFF  }
0x1aa: {  	_ =	shalt  }

// kernel: sparse-core-data-format-call.1.cloned.1.call-start
scs
called_computation.1_lowered:
.L_overlay_start_0:
0x0: {  	s2 =	sld [smem:$0x3FD9]  }
0x1: {  	s3 =	sld [smem:$0x3FFE];
	_ =	sdelay $0x1  }
0x2: {  	s1 =	srdreg.scid  }
0x3: {  	s0 =	sand.u32 $0x1, s1  }
0x4: {  	s18 =	sshll.u32 s0, $0xA;
	s2 =	sadd.s32 s3, s2  }
0x5: {  	s2 =	sadd.s32 s2, s18  }
0x6: {  	[smem:$0x3FC3] =	sst s2  }
0x7: {  	_ = 	snop  }
0x8: {  	s2 =	sld [smem:$0x3FC8];
	(tm) =	ssettm $0x1  }
0x9: {  	s19 =	sld [smem:$0x3FFB];
	_ =	sdelay $0x3  }
0xa: {  	_ =	strace s19  }
0xb: {  	s3 =	sld [smem:$0x3FFC];
	_ =	sdelay $0x3  }
0xc: {  	_ =	strace s3  }
0xd: {  	s3 =	sld [smem:$0x3FFD];
	_ =	sdelay $0x3  }
0xe: {  	_ =	strace s3  }
0xf: {  	_ =	strace $0x8FFFFFFF  }
0x10: {  	s20 =	sld [smem:$0x3FDB];
	_ =	sdelay $0x1  }
0x11: {  	s4 =	simm.s32 $_scs_section_size  }
0x12: {  	s5 =	simm.s32 $_size__tile_overlayer_lowered;
	s6 =	simm.s32 $_tile_overlayer_lowered  }
0x13: {  	s23 =	simm.s32 $0x1BFF;
	s22 =	sshll.u32 s6, $0x1;
	s3 =	sadd.s32 s4, s20  }
0x14: {  	s7 =	simm.s32 $0x0;
	s21 =	sshll.u32 s5, $0x1;
	s5 =	sadd.s32 s22, s3  }
0x15: {  	[timem:s7], [sflag:s23] =	dma.local [hbm:s5], s21  }
0x16: {  	_ =	swait.ge [sflag:s23], s21  }
0x17: {  	s4 =	ssub.s32 $0x0, s21;
	[sflag:s23] =	ssyncset.done $0x0  }
0x18: {  	[sflag:s23] =	ssyncadd.s32 s4;
	_ =	sdelay $0x1  }
0x19: {  	s24 =	simm.s32 $0x1B8B  }
0x1a: {  	_ =	swait.ge [sflag:s24], $0x1  }
0x1b: {  	[sflag:s24] =	ssyncset.done $0x0  }
0x1c: {  	s26 =	simm.s32 $0x1B8E;
	s25 =	sld [smem:$0x3FFE];
	[sflag:s24] =	ssyncadd.s32 $0xFFFFFFFF  }
0x1d: {  	s27 =	simm.s32 $execute0_lowered;
	[smem:$0x3FD2] =	sst s26  }
0x1e: {  	s5 =	sshll.u32 s27, $0x1;
	_ =	strace $0x80000046;
	[dreg:$0x1] =	wrdreg $0xFFFFFFFF  }
0x1f: {  	s28 =	simm.s32 $_size_execute0_lowered;
	s3 =	sadd.s32 s3, s5;
	[dreg:$0x0] =	wrdreg $0x0  }
0x20: {  	s5 =	sshll.u32 s28, $0x1;
	[dreg:$0x2] =	wrdreg s3  }
0x21: {  	[dreg:$0x3] =	wrdreg s5  }
0x22: {  	[dreg:$0x4] =	wrdreg $0xC0  }
0x23: {  	_ =	task [dreg:s7], $0x5FFFF  }
0x24: {  	[dreg:$0x1] =	wrdreg $0xFFFFFFFF  }
0x25: {  	[dreg:$0x0] =	wrdreg $0x60  }
0x26: {  	[dreg:$0x2] =	wrdreg s2  }
0x27: {  	[dreg:$0x3] =	wrdreg s25  }
0x28: {  	[dreg:$0x4] =	wrdreg $0x9  }
0x29: {  	_ =	task.clear_ibuf [dreg:s7], $0x5FFFF;
	_ =	strace $0x90000046  }
0x2a: {  	s29 =	simm.s32 $0x9;
	_ =	strace $0x80000048  }
0x2b: {  	_ =	swait.ge [sflag:s29], $0x1  }
0x2c: {  	[sflag:s29] =	ssyncadd.s32 $0xFFFFFFFF  }
0x2d: {  	_ =	strace $0x90000048  }
0x2e: {  	_ =	sfence  }
0x2f: {  	s30 =	sld [smem:$0x0];
	_ =	sdelay $0x2  }
0x30: {  	s31 =	sshll.u32 s1, $0xD;
	s1 =	sshrl.u32 s1, $0x2  }
0x31: {  	s3 =	sand.u32 $0x4000, s31;
	s1 =	sadd.s32 s1, s30  }
0x32: {  	s0 =	sor.u32 s3, s0;
	s1 =	sshll.u32 s1, $0x11  }
0x33: {  	s0 =	sor.u32 s1, s0  }
0x34: {  	s0 =	sadd.s32 $0x8F2B, s0  }
0x35: {  	[sflag:s0] =	ssyncadd.remote.s32 $0x1  }
0x36: {  	_ =	sfence.sel $0xFFFF  }
0x37: {  	[dreg:$0x0] =	wrdreg $0xFFFFFFFF;
	(pc) =	sbr.abs _section_cstart, $3  }
0x38: {  	[dreg:$0x1] =	wrdreg $0xFFFFFFFF  }
0x39: {  	_ =	task.clear_ibuf [dreg:s7], $0x2FFFF;
	_ =	strace $0x9FFFFFFF  }
0x3a: {  	(tm) =	ssettm $0x7FFFFFFF  }
0x3b: {  	_ =	shalt  }
tec
execute0_lowered:
.L_overlay_start_1:
0x0: {  	(tag) =	ssettag $0x1  }
0x1: {  	s0 =	srdreg.scid  }
0x2: {  	s2 =	stileid.u32;
	s1 =	rddreg [dreg:$0x1]  }
0x3: {  	_ =	strace $0x80000047;
	s30 =	simm.s32 $0x1;
	s0 =	sshll.u32 s0, $0x4  }
0x4: {  	s31 =	simm.s32 $0x2;
	s14 =	simm.s32 $0x0;
	s0 =	sand.u32 $0x10, s0  }
0x5: {  	s13 =	simm.s32 $0x0;
	s8 =	simm.s32 $0x0;
	s0 =	sor.u32 s2, s0  }
.Ltmp0:
0x6: {  	s1 =	sadd.s32 $0x1000, s1;
	s9 =	sshll.u32 s0, $0x7;
	(pc) =	sbr.rel .LBB1_1-.Ltmp0, $4  }
0x7: {  	s10 =	simm.s32 $0x0;
	[dreg:$0x5] =	wrdreg s1;
	s0 =	ssub.s32 $0x46B80, s9  }
0x8: {  	s11 =	simm.s32 $0x0;
	[dreg:$0x3] =	wrdreg s9;
	s0 =	sshrl.u32 s0, $0xC  }
0x9: {  	[sflag:s30] =	ssyncpa.u1 $0x0;
	[dreg:$0x4] =	wrdreg s0;
	s7 =	sadd.s32 $0x2, s0  }
0xa: {  	s12 =	simm.s32 $0x0;
	[sflag:s31] =	ssyncpa.u1 $0x0;
	[dreg:$0x6] =	wrdreg s7  }
.LBB1_12:
0xb: {  	s8 =	rddreg [dreg:$0x7]  }
0xc: {  	s1 =	sshll.u32 s10, $0x3;
	s3 =	rddreg [dreg:$0xb]  }
0xd: {  	s27 =	rddreg [dreg:$0xa];
	s28 =	sshrl.u32 s10, $0x3;
	s0 =	sshll.u32 s8, $0x7  }
0xe: {  	s30 =	rddreg [dreg:$0x5];
	s1 =	sand.u32 $0xFFFFFC00, s1;
	s2 =	sand.u32 $0xFFFFFC00, s0  }
0xf: {  	s31 =	sand.u32 $0x7, s10;
	s0 =	sand.u32 $0x380, s0;
	s1 =	sadd.s32 s1, s2  }
0x10: {  	p0 =	sgt.s32 s8, $0x46B18;
	s0 =	sor.u32 s0, s1;
	s1 =	smov.u32 s8  }
0x11: {  	s0 =	sshrl.u32 s0, $0x7;
	s1 =	simm.s32 @!p0 $0x46B18;
	p0 =	sgt.s32 s10, $0x0  }
0x12: {  	s26 =	smulhi.u32 $0x1CF5177, s0;
	s1 =	sadd.s32 s3, s1;
	s3 =	smov.u32 s10  }
0x13: {  	s4 =	sadd.s32 $0xFFFB94E8, s1;
	s3 =	simm.s32 @!p0 $0x0;
	s1 =	ssub.s32 $0x46B98, s1  }
0x14: {  	s2 =	sshrl.u32 s26, $0xB;
	p0 =	sgt.s32 s4, $0x7F;
	s3 =	sadd.s32 s3, s27  }
0x15: {  	s2 =	smul.u32 $0x46B98, s2;
	p1 =	sgt.s32 s3, $0x7F;
	s3 =	ssub.s32 $0x80, s3  }
0x16: {  	s7 =	rddreg [dreg:$0x6];
	s1 =	simm.s32 @p0 $0x0;
	s3 =	simm.s32 @p1 $0x0  }
0x17: {  	s29 =	sand.u32 $0xF, s28;
	s0 =	ssub.s32 s0, s2;
	s1 =	smul.u32 s3, s1  }
0x18: {  	s13 =	rddreg [dreg:$0x8];
	s2 =	sadd.s32 s30, s29;
	s0 =	sshll.u32 s0, $0x4  }
0x19: {  	s14 =	rddreg [dreg:$0x9];
	s1 =	sand.u32 $0x3FFFFFFF, s1;
	s0 =	sadd.s32 s0, s2  }
0x1a: {  	[hbm4b:s0+s31] =	stream.linear.scatter [tilespmem:s17], [sflag:$0x2], s1, $0x20;
	[tilespmem:$0x10100] =	vst v63  }
.LBB1_13:
0x1b: {  	p0 =	slt.u32 s12, $0x2  }
0x1c: {  	p1 =	sgt.s32 @!p0 s14, $0x46B18  }
0x1d: {  	s0 =	smov.u32 s14;
	s1 =	sshra.s32 @!p0 s14, $0x1F;
	p1 =	por !p1, p0  }
0x1e: {  	s1 =	sand.u32 @!p0 s1, s14;
	s0 =	simm.s32 @p1 $0x46B18  }
0x1f: {  	s0 =	ssub.s32 @!p0 s0, s1;
	s1 =	ssub.s32 @!p0 $0x0, s13  }
0x20: {  	s2 =	sadd.s32 @!p0 $0xFFFB94E8, s0;
	s1 =	smin.u32 @!p0 s13, s1  }
0x21: {  	s0 =	ssub.s32 @!p0 $0x46B98, s0;
	p1 =	sgt.s32 @!p0 s2, $0x7F;
	p2 =	sgt.s32 @!p0 s1, $0x7F  }
0x22: {  	s1 =	ssub.s32 @!p0 $0x80, s1;
	p1 =	por !p1, p0;
	p2 =	por !p2, p0  }
0x23: {  	s0 =	simm.s32 @!p1 $0x0;
	s1 =	simm.s32 @!p2 $0x0  }
0x24: {  	s0 =	smul.u32 @!p0 s1, s0  }
0x25: {  	s3 =	sadd.s32 $0x80, s11  }
0x26: {  	s2 =	simm.s32 @!p0 $0x2;
	s1 =	sadd.s32 $0x1000, s9;
	s0 =	sand.u32 @!p0 $0x3FFFFFFF, s0  }
0x27: {  	s4 =	smov.u32 s11;
	p1 =	sgt.s32 s1, $0x46B97;
	_ =	swait.ge @!p0 [sflag:s2], s0  }
0x28: {  	s4 =	smov.u32 @p1 s3;
	s3 =	rddreg [dreg:$0x3]  }
0x29: {  	s1 =	smov.u32 @p1 s3;
	p1 =	sgt.s32 s4, $0x63  }
0x2a: {  	s4 =	simm.s32 @p1 $0x0;
	p1 =	sne.s32 s12, s7  }
.Ltmp1:
0x2b: {  	_ = 	snop;
	(pc) =	sbr.rel @!p1 .LBB1_14-.Ltmp1, $4  }
0x2c: {  	s14 =	smov.u32 s8  }
0x2d: {  	s8 =	smov.u32 s9;
	s0 =	ssub.s32 @!p0 $0x0, s0;
	[sflag:s2] =	ssyncset.done @!p0 $0x0  }
0x2e: {  	s13 =	smov.u32 s10;
	s10 =	smov.u32 s11;
	[sflag:s2] =	ssyncadd.s32 @!p0 s0  }
0x2f: {  	s12 =	sadd.s32 $0x1, s12;
	s9 =	smov.u32 s1;
	s11 =	smov.u32 s4  }
.LBB1_1:
0x30: {  	s0 =	rddreg [dreg:$0x4]  }
0x31: {  	p0 =	sgt.u32 s12, s0  }
0x32: {  	s0 =	sshrl.u32 @!p0 s11, $0x3  }
0x33: {  	s1 =	sshll.u32 @!p0 s9, $0x3;
	s0 =	smul.u32 @!p0 $0x236000, s0  }
0x34: {  	s1 =	sand.u32 @!p0 $0xFFFFFC00, s1  }
0x35: {  	s0 =	sadd.s32 @!p0 s0, s1  }
0x36: {  	s1 =	smulhi.u32 @!p0 $0xE79372E3, s0;
	_ =	sdelay $0x1  }
0x37: {  	s5 =	smov.u32 s9;
	s1 =	sshrl.u32 @!p0 s1, $0x12  }
0x38: {  	s2 =	sshll.u32 @!p0 s11, $0x7;
	p1 =	sgt.s32 @!p0 s11, $0xFFFFFFE8;
	s3 =	smul.u32 @!p0 $0x2763, s1  }
0x39: {  	s4 =	sand.u32 @!p0 $0x7F, s9;
	s2 =	sand.u32 @!p0 $0x380, s2;
	p1 =	por !p1, p0  }
0x3a: {  	s2 =	sor.u32 @!p0 s4, s2;
	s4 =	sshra.s32 @!p0 s11, $0x1F;
	s3 =	sshrl.u32 @!p0 s3, $0x14  }
0x3b: {  	s0 =	sor.u32 @!p0 s0, s2;
	s2 =	smul.u32 @!p0 $0x68, s3;
	s3 =	smov.u32 s11  }
0x3c: {  	s4 =	sand.u32 @!p0 s4, s11;
	s3 =	simm.s32 @p1 $0xFFFFFFE8;
	p1 =	sgt.s32 @!p0 s9, $0x46B80  }
0x3d: {  	s6 =	sshra.s32 @!p0 s9, $0x1F;
	p1 =	por !p1, p0;
	s3 =	ssub.s32 @!p0 s3, s4  }
0x3e: {  	s4 =	sand.u32 @!p0 s6, s9;
	s1 =	ssub.s32 @!p0 s1, s2;
	s5 =	simm.s32 @p1 $0x46B80  }
0x3f: {  	s6 =	smulhi.u32 @!p0 $0xE79372E3, s0;
	s1 =	sand.u32 @!p0 $0xFFFF, s1;
	s4 =	ssub.s32 @!p0 s5, s4  }
0x40: {  	s5 =	sadd.s32 @!p0 $0x18, s3;
	s3 =	ssub.s32 @!p0 $0x68, s3;
	s1 =	smul.u32 @!p0 $0x8D80, s1  }
0x41: {  	p1 =	sgt.s32 @!p0 s5, $0x7F;
	s2 =	sadd.s32 @!p0 $0xFFFB9480, s4;
	s5 =	sshrl.u32 @!p0 s6, $0x12  }
0x42: {  	s4 =	ssub.s32 @!p0 $0x46C00, s4;
	p2 =	sgt.s32 @!p0 s2, $0x7F;
	s2 =	sxor.u32 @!p0 $0xFFFFFFFF, s12  }
0x43: {  	s5 =	smul.u32 @!p0 $0x46C00, s5;
	p1 =	por !p1, p0;
	p2 =	por !p2, p0  }
0x44: {  	s2 =	sshll.u32 @!p0 s2, $0xE;
	s3 =	simm.s32 @!p1 $0x0;
	s4 =	simm.s32 @!p2 $0x0  }
0x45: {  	s2 =	sand.u32 @!p0 $0x4000, s2;
	s0 =	ssub.s32 @!p0 s0, s5;
	s3 =	smul.u32 @!p0 s3, s4  }
0x46: {  	s5 =	rddreg [dreg:$0x0];
	s4 =	sshrl.u32 @!p0 s0, $0x3;
	s0 =	sand.u32 @!p0 $0x7, s0  }
0x47: {  	s4 =	sadd.s32 @!p0 s5, s4;
	s0 =	sshll.u32 @!p0 s0, $0x12;
	s3 =	sand.u32 @!p0 $0x3FFFFFFF, s3  }
0x48: {  	s1 =	sadd.s32 @!p0 s1, s4;
	s0 =	sor.u32 @!p0 $0x400, s0;
	s4 =	simm.s32 @!p0 $0x236000  }
0x49: {  	[tilespmem:s2], [sflag:$0x1] =	stream.strided.gather @!p0 [hbm4b:s1+s0], s3, s4, s0, $0x38;
	[tilespmem:$0x10100] =	vst v63  }
0x4a: {  	p0 =	seq.s32 s12, $0x0  }
0x4b: {  	p1 =	sge.u32 @!p0 s12, s7  }
0x4c: {  	p0 =	por p0, p1  }
.Ltmp2:
0x4d: {  	_ = 	snop;
	(pc) =	sbr.rel @p0 .LBB1_13-.Ltmp2, $1  }
0x4e: {  	_ =	sdelay $0x3  }
0x4f: {  	s0 =	ssub.s32 $0x0, s10;
	s1 =	sshra.s32 s10, $0x1F;
	p0 =	sgt.s32 s10, $0xFFFFFFE8  }
0x50: {  	s2 =	smov.u32 s10;
	s25 =	ssub.s32 $0x0, s8;
	s26 =	sshra.s32 s8, $0x1F  }
0x51: {  	s3 =	smov.u32 s8;
	s2 =	simm.s32 @!p0 $0xFFFFFFE8;
	p0 =	sgt.s32 s8, $0x46B80  }
0x52: {  	s4 =	sand.u32 s0, s1;
	s1 =	sand.u32 s25, s26;
	s3 =	simm.s32 @!p0 $0x46B80  }
0x53: {  	s2 =	sadd.s32 s4, s2;
	[dreg:$0xb] =	wrdreg s1;
	s1 =	sadd.s32 s1, s3  }
0x54: {  	s27 =	sadd.s32 $0x18, s2;
	s2 =	ssub.s32 $0x68, s2;
	s28 =	sadd.s32 $0xFFFB9480, s1  }
0x55: {  	p0 =	sgt.s32 s27, $0x7F;
	s0 =	ssub.s32 $0x46C00, s1;
	p1 =	sgt.s32 s28, $0x7F  }
0x56: {  	s2 =	simm.s32 @p0 $0x0;
	s0 =	simm.s32 @p1 $0x0  }
0x57: {  	s29 =	smul.u32 s2, s0;
	s2 =	sadd.s32 $0x80, s10  }
0x58: {  	p0 =	slt.s32 s2, $0x64  }
0x59: {  	s2 =	simm.s32 @!p0 $0x64  }
0x5a: {  	[dreg:$0x9] =	wrdreg s14;
	s18 =	ssub.s32 s2, s10  }
0x5b: {  	[dreg:$0x8] =	wrdreg s13;
	p0 =	slt.s32 s18, $0x1  }
.Ltmp3:
0x5c: {  	[dreg:$0x7] =	wrdreg s8;
	s30 =	simm.s32 $0x1;
	(pc) =	sbr.rel @p0 .LBB1_12-.Ltmp3, $4  }
0x5d: {  	[dreg:$0xa] =	wrdreg s4;
	s0 =	sand.u32 $0x1, s12;
	s1 =	sand.u32 $0x3FFFFFFF, s29  }
0x5e: {  	s31 =	smul.u32 $0x4080, s0;
	_ =	swait.ge [sflag:s30], s1  }
0x5f: {  	s1 =	ssub.s32 $0x0, s1;
	[sflag:s30] =	ssyncset.done $0x0  }
0x60: {  	s17 =	sor.u32 $0x8000, s31;
	[sflag:s30] =	ssyncadd.s32 s1  }
0x61: {  	s2 =	rddreg [dreg:$0x7]  }
0x62: {  	s1 =	sadd.s32 $0x80, s2  }
0x63: {  	p0 =	slt.s32 s1, $0x46B98  }
.Ltmp4:
0x64: {  	s1 =	simm.s32 @!p0 $0x46B98;
	(pc) =	sbr.rel .LBB1_4-.Ltmp4, $4  }
0x65: {  	s21 =	sshll.u32 s0, $0xE;
	s1 =	ssub.s32 s1, s2  }
0x66: {  	s23 =	simm.s32 $0x0;
	s24 =	simm.s32 $0x400;
	s1 =	sadd.s32 $0xF, s1  }
0x67: {  	s19 =	sand.u32 $0xFFFFFFF0, s1;
	s20 =	sand.u32 $0xFFFFFF00, s1;
	s31 =	sshll.u32 s1, $0x3  }
0x68: {  	p0 =	slt.s32 s1, $0x100;
	s22 =	sand.u32 $0xFFFFF800, s31;
	p1 =	sge.s32 s20, s19  }
.LBB1_11:
0x69: {  	s23 =	sadd.s32 $0x1, s23  }
0x6a: {  	p2 =	sne.s32 s23, s18  }
.Ltmp5:
0x6b: {  	_ = 	snop;
	(pc) =	sbr.rel @!p2 .LBB1_12-.Ltmp5, $2  }
0x6c: {  	_ =	sdelay $0x2  }
0x6d: {  	s24 =	sadd.s32 $0x80, s24  }
.LBB1_4:
.Ltmp6:
0x6e: {  	(pc) =	sbr.rel @p0 .LBB1_8-.Ltmp6, $2  }
0x6f: {  	_ =	sdelay $0x2  }
0x70: {  	s25 =	sshll.u32 s23, $0x7;
	s26 =	sand.u32 $0x7F, s23  }
0x71: {  	s0 =	sshll.u32 s23, $0x3  }
0x72: {  	s5 =	sand.u32 $0x380, s25;
	s3 =	sshrl.u32 s0, $0x7  }
0x73: {  	s2 =	sadd.s32 $0x800, s0;
	s6 =	sadd.s32 $0x1000, s0;
	s16 =	sadd.s32 s5, s21  }
0x74: {  	s15 =	sadd.s32 $0x1800, s0;
	s13 =	sadd.s32 $0x2800, s0;
	s1 =	sand.u32 $0x78, s3  }
0x75: {  	s2 =	sshrl.u32 s2, $0x7;
	s14 =	sshrl.u32 s6, $0x7;
	s6 =	sshrl.u32 s15, $0x7  }
0x76: {  	s15 =	sadd.s32 $0x3000, s0;
	s0 =	sadd.s32 $0x3800, s0;
	v0 =	vmov s16;
	s16 =	sand.u32 $0x3C00, s24  }
0x77: {  	s4 =	smul.u32 $0x204, s1;
	s2 =	sand.u32 $0x78, s2;
	s5 =	sand.u32 $0x78, s14  }
0x78: {  	s7 =	sand.u32 $0x78, s6;
	s1 =	sxor.u32 $0x40, s1;
	s2 =	smul.u32 $0x204, s2  }
0x79: {  	s14 =	sshrl.u32 s13, $0x7;
	s0 =	sshrl.u32 s0, $0x7;
	s5 =	smul.u32 $0x204, s5  }
0x7a: {  	s6 =	sadd.s32 $0x10, s3;
	s1 =	smul.u32 $0x204, s1;
	s2 =	sshrl.u32 s2, $0x2  }
0x7b: {  	s0 =	sand.u32 $0x78, s0;
	s4 =	sshrl.u32 s4, $0x2;
	s2 =	sadd.s32 s2, s17  }
0x7c: {  	s4 =	sadd.s32 s4, s17;
	s28 =	sadd.s32 s26, s2;
	s2 =	smul.u32 $0x204, s7  }
0x7d: {  	s8 =	sshrl.u32 s5, $0x2;
	s1 =	sshrl.u32 s1, $0x2;
	s27 =	sadd.s32 s26, s4  }
0x7e: {  	s4 =	sadd.s32 s8, s17;
	s1 =	sadd.s32 s1, s17;
	s2 =	sshrl.u32 s2, $0x2  }
0x7f: {  	s29 =	sadd.s32 s26, s4;
	s4 =	sand.u32 $0x78, s14;
	s2 =	sadd.s32 s2, s17  }
0x80: {  	s4 =	smul.u32 $0x204, s4;
	s31 =	sadd.s32 s26, s2;
	s2 =	sshrl.u32 s15, $0x7  }
0x81: {  	s30 =	sadd.s32 s26, s1;
	s7 =	smul.u32 $0x204, s0;
	s1 =	sand.u32 $0x78, s2  }
0x82: {  	s8 =	sand.u32 $0x78, s6;
	s4 =	sshrl.u32 s4, $0x2;
	s5 =	smul.u32 $0x204, s1  }
0x83: {  	s14 =	smul.u32 $0x204, s8;
	s15 =	sadd.s32 $0x20, s3;
	s2 =	sadd.s32 s4, s17  }
0x84: {  	s6 =	sand.u32 $0x78, s15;
	s1 =	sadd.s32 s26, s2;
	s4 =	sshrl.u32 s5, $0x2  }
0x85: {  	s5 =	sshrl.u32 s7, $0x2;
	s7 =	sadd.s32 $0x30, s3;
	s13 =	sadd.s32 s4, s17  }
0x86: {  	s2 =	sadd.s32 s5, s17;
	s4 =	sshrl.u32 s14, $0x2;
	s5 =	smul.u32 $0x204, s6  }
0x87: {  	s6 =	sand.u32 $0x78, s7;
	s7 =	sadd.s32 $0x50, s3;
	s0 =	sadd.s32 s26, s13  }
0x88: {  	s6 =	smul.u32 $0x204, s6;
	s7 =	sand.u32 $0x78, s7;
	s13 =	sadd.s32 $0x60, s3  }
0x89: {  	s3 =	sadd.s32 $0x70, s3;
	s7 =	smul.u32 $0x204, s7;
	s13 =	sand.u32 $0x78, s13  }
0x8a: {  	v1 =	vld.idx.msk [tilespmem:v0+s16+$0x0 ss:$0x1], $0xffff;
	s5 =	sshrl.u32 s5, $0x2;
	s3 =	sand.u32 $0x78, s3;
	s13 =	smul.u32 $0x204, s13  }
0x8b: {  	s6 =	sshrl.u32 s6, $0x2;
	s14 =	sadd.s32 s5, s17;
	s3 =	smul.u32 $0x204, s3  }
0x8c: {  	s15 =	sadd.s32 s6, s17;
	s6 =	sadd.s32 s26, s14;
	s7 =	sshrl.u32 s7, $0x2  }
0x8d: {  	s14 =	sadd.s32 $0xFFFFFC00, s24;
	s13 =	sshrl.u32 s13, $0x2;
	s3 =	sshrl.u32 s3, $0x2  }
0x8e: {  	s7 =	sadd.s32 s7, s17;
	s13 =	sadd.s32 s13, s17;
	s8 =	sadd.s32 s3, s17  }
0x8f: {  	[tilespmem:s27+$0x0 ss:$0x81] =	vst.msk $0xffff, v1;
	v1 =	vld.idx.msk [tilespmem:v0+s16+$0x20 ss:$0x1], $0xffff;
	s3 =	sadd.s32 s26, s7;
	s7 =	sadd.s32 s26, s13;
	s13 =	sand.u32 $0x3C00, s14  }
0x90: {  	v2 =	vld.idx.msk [tilespmem:v0+s13+$0x70 ss:$0x1], $0xffff  }
0x91: {  	v3 =	vld.idx.msk [tilespmem:v0+s13+$0x0 ss:$0x1], $0xffff  }
0x92: {  	v4 =	vld.idx.msk [tilespmem:v0+s13+$0x10 ss:$0x1], $0xffff  }
0x93: {  	v5 =	vld.idx.msk [tilespmem:v0+s13+$0x20 ss:$0x1], $0xffff  }
0x94: {  	s2 =	sadd.s32 s26, s2;
	v6 =	vld.idx.msk [tilespmem:v0+s13+$0x30 ss:$0x1], $0xffff  }
0x95: {  	v7 =	vld.idx.msk [tilespmem:v0+s13+$0x40 ss:$0x1], $0xffff;
	[tilespmem:s2+$0x0 ss:$0x81] =	vst.msk $0xffff, v2  }
0x96: {  	v8 =	vld.idx.msk [tilespmem:v0+s13+$0x50 ss:$0x1], $0xffff;
	[tilespmem:s27+$0x0 ss:$0x81] =	vst.msk $0xffff, v3  }
0x97: {  	p2 =	sgt.s32 s20, $0x100;
	v9 =	vld.idx.msk [tilespmem:v0+s13+$0x60 ss:$0x1], $0xffff;
	[tilespmem:s28+$0x0 ss:$0x81] =	vst.msk $0xffff, v4  }
.Ltmp7:
0x98: {  	v4 =	vld.idx.msk [tilespmem:v0+s16+$0x10 ss:$0x1], $0xffff;
	[tilespmem:s29+$0x0 ss:$0x81] =	vst.msk $0xffff, v5;
	(pc) =	sbr.rel @!p2 .LBB1_7-.Ltmp7, $4  }
0x99: {  	[tilespmem:s31+$0x0 ss:$0x81] =	vst.msk $0xffff, v6;
	v2 =	vld.idx.msk [tilespmem:v0+s16+$0x30 ss:$0x1], $0xffff  }
0x9a: {  	s4 =	sadd.s32 s4, s17;
	[tilespmem:s30+$0x0 ss:$0x81] =	vst.msk $0xffff, v7;
	v3 =	vld.idx.msk [tilespmem:v0+s16+$0x40 ss:$0x1], $0xffff  }
0x9b: {  	s5 =	sadd.s32 s26, s4;
	s4 =	sadd.s32 s26, s15;
	[tilespmem:s1+$0x0 ss:$0x81] =	vst.msk $0xffff, v8;
	v5 =	vld.idx.msk [tilespmem:v0+s16+$0x50 ss:$0x1], $0xffff  }
0x9c: {  	s15 =	sadd.s32 s26, s8;
	s14 =	sadd.s32 $0x800, s24;
	s13 =	simm.s32 $0x100;
	[tilespmem:s0+$0x0 ss:$0x81] =	vst.msk $0xffff, v9;
	v6 =	vld.idx.msk [tilespmem:v0+s16+$0x60 ss:$0x1], $0xffff  }
.LBB1_6:
0x9d: {  	s8 =	sadd.s32 $0xFFFFFC00, s14;
	s13 =	sadd.s32 $0x100, s13;
	[tilespmem:s5+$0x0 ss:$0x81] =	vst.msk $0xffff, v4;
	v4 =	vld.idx.msk [tilespmem:v0+s16+$0x70 ss:$0x1], $0xffff;
	s16 =	sand.u32 $0x3C00, s14  }
0x9e: {  	s8 =	sand.u32 $0x3C00, s8;
	v7 =	vld.idx.msk [tilespmem:v0+s16+$0x0 ss:$0x1], $0xffff;
	p2 =	slt.s32 s13, s20;
	[tilespmem:s6+$0x0 ss:$0x81] =	vst.msk $0xffff, v1  }
0x9f: {  	v1 =	vld.idx.msk [tilespmem:v0+s8+$0x70 ss:$0x1], $0xffff;
	[tilespmem:s4+$0x0 ss:$0x81] =	vst.msk $0xffff, v2  }
0xa0: {  	v2 =	vld.idx.msk [tilespmem:v0+s8+$0x0 ss:$0x1], $0xffff;
	[tilespmem:s30+$0x0 ss:$0x81] =	vst.msk $0xffff, v3  }
0xa1: {  	v3 =	vld.idx.msk [tilespmem:v0+s8+$0x10 ss:$0x1], $0xffff;
	[tilespmem:s3+$0x0 ss:$0x81] =	vst.msk $0xffff, v5  }
0xa2: {  	v5 =	vld.idx.msk [tilespmem:v0+s8+$0x20 ss:$0x1], $0xffff;
	[tilespmem:s7+$0x0 ss:$0x81] =	vst.msk $0xffff, v6  }
0xa3: {  	v6 =	vld.idx.msk [tilespmem:v0+s8+$0x30 ss:$0x1], $0xffff;
	[tilespmem:s15+$0x0 ss:$0x81] =	vst.msk $0xffff, v4  }
0xa4: {  	v8 =	vld.idx.msk [tilespmem:v0+s8+$0x40 ss:$0x1], $0xffff;
	[tilespmem:s27+$0x0 ss:$0x81] =	vst.msk $0xffff, v7  }
0xa5: {  	v7 =	vld.idx.msk [tilespmem:v0+s8+$0x50 ss:$0x1], $0xffff;
	[tilespmem:s2+$0x0 ss:$0x81] =	vst.msk $0xffff, v1  }
0xa6: {  	[tilespmem:s27+$0x0 ss:$0x81] =	vst.msk $0xffff, v2;
	v9 =	vld.idx.msk [tilespmem:v0+s8+$0x60 ss:$0x1], $0xffff  }
0xa7: {  	[tilespmem:s28+$0x0 ss:$0x81] =	vst.msk $0xffff, v3;
	v4 =	vld.idx.msk [tilespmem:v0+s16+$0x10 ss:$0x1], $0xffff  }
.Ltmp8:
0xa8: {  	[tilespmem:s29+$0x0 ss:$0x81] =	vst.msk $0xffff, v5;
	v1 =	vld.idx.msk [tilespmem:v0+s16+$0x20 ss:$0x1], $0xffff;
	(pc) =	sbr.rel @p2 .LBB1_6-.Ltmp8, $4  }
0xa9: {  	[tilespmem:s31+$0x0 ss:$0x81] =	vst.msk $0xffff, v6;
	v2 =	vld.idx.msk [tilespmem:v0+s16+$0x30 ss:$0x1], $0xffff  }
0xaa: {  	[tilespmem:s30+$0x0 ss:$0x81] =	vst.msk $0xffff, v8;
	v3 =	vld.idx.msk [tilespmem:v0+s16+$0x40 ss:$0x1], $0xffff  }
0xab: {  	[tilespmem:s1+$0x0 ss:$0x81] =	vst.msk $0xffff, v7;
	v5 =	vld.idx.msk [tilespmem:v0+s16+$0x50 ss:$0x1], $0xffff  }
0xac: {  	s14 =	sadd.s32 $0x800, s14;
	[tilespmem:s0+$0x0 ss:$0x81] =	vst.msk $0xffff, v9;
	v6 =	vld.idx.msk [tilespmem:v0+s16+$0x60 ss:$0x1], $0xffff  }
.LBB1_7:
0xad: {  	_ =	sdelay $0x2  }
0xae: {  	[tilespmem:s5+$0x0 ss:$0x81] =	vst.msk $0xffff, v4  }
0xaf: {  	v0 =	vld.idx.msk [tilespmem:v0+s16+$0x70 ss:$0x1], $0xffff;
	[tilespmem:s6+$0x0 ss:$0x81] =	vst.msk $0xffff, v1  }
0xb0: {  	[tilespmem:s4+$0x0 ss:$0x81] =	vst.msk $0xffff, v2  }
0xb1: {  	[tilespmem:s30+$0x0 ss:$0x81] =	vst.msk $0xffff, v3  }
0xb2: {  	[tilespmem:s3+$0x0 ss:$0x81] =	vst.msk $0xffff, v5  }
0xb3: {  	[tilespmem:s7+$0x0 ss:$0x81] =	vst.msk $0xffff, v6  }
0xb4: {  	[tilespmem:s15+$0x0 ss:$0x81] =	vst.msk $0xffff, v0  }
.LBB1_8:
.Ltmp9:
0xb5: {  	(pc) =	sbr.rel @p1 .LBB1_11-.Ltmp9, $1  }
0xb6: {  	_ =	sdelay $0x3  }
0xb7: {  	s1 =	sand.u32 $0x380, s25;
	s0 =	sshrl.u32 s23, $0x4;
	s2 =	sadd.s32 s26, s17  }
0xb8: {  	s3 =	smov.u32 s22;
	s4 =	smov.u32 s20;
	s1 =	sadd.s32 s1, s21  }
.LBB1_10:
0xb9: {  	s5 =	sand.u32 $0x3C00, s3  }
0xba: {  	s5 =	sadd.s32 s25, s5  }
0xbb: {  	s5 =	sand.u32 $0x3C00, s5  }
0xbc: {  	s6 =	sand.u32 $0x70, s4;
	s30 =	sadd.s32 s4, s0;
	s5 =	sadd.s32 s5, s1  }
0xbd: {  	s4 =	sadd.s32 $0x10, s4;
	s31 =	sand.u32 $0x78, s30;
	s5 =	sadd.s32 s6, s5  }
0xbe: {  	p2 =	slt.s32 s4, s19;
	v0 =	vld [tilespmem:s5+$0x0];
	s5 =	smul.u32 $0x204, s31  }
.Ltmp10:
0xbf: {  	_ = 	snop;
	(pc) =	sbr.rel @p2 .LBB1_10-.Ltmp10, $4  }
0xc0: {  	_ = 	snop  }
0xc1: {  	s5 =	sshrl.u32 s5, $0x2  }
0xc2: {  	s5 =	sadd.s32 s5, s2  }
0xc3: {  	s3 =	sadd.s32 $0x80, s3;
	[tilespmem:s5+$0x0 ss:$0x81] =	vst.msk $0xffff, v0  }
.Ltmp11:
0xc4: {  	_ = 	snop;
	(pc) =	sbr.rel .LBB1_11-.Ltmp11, $1  }
0xc5: {  	_ =	sdelay $0x3  }
.LBB1_14:
0xc6: {  	_ =	sfence.sel $0x180000  }
0xc7: {  	s0 =	simm.s32 $0x1;
	[bflag:$0x0] =	sbarrier.arrive $0xFFFF  }
0xc8: {  	s30 =	simm.s32 $0x2;
	[sflag:s0] =	ssyncpa.u1 $0x1  }
0xc9: {  	[sflag:s30] =	ssyncpa.u1 $0x1  }
0xca: {  	_ =	strace $0x90000047  }
0xcb: {  	s31 =	stileid.u32;
	[bflag:$0x2] =	sbarrier.arrive $0xFFFF  }
0xcc: {  	p0 =	sne.s32 s31, $0x0;
	s0 =	rddreg [dreg:$0x2]  }
0xcd: {  	s0 =	sadd.s32 @!p0 $0x100000, s0  }
0xce: {  	[sflag:s0] =	ssyncadd.tile.s32 @!p0 $0x1;
	_ =	shalt  }
.Lfunc_end1:
_tile_overlayer_lowered:
.L_overlay_start_2:
0xcf: {  	(tag) =	ssettag $0x2  }
0xd0: {  	s0 =	rddreg [dreg:$0x0];
	s2 =	stileid.u32  }
0xd1: {  	s1 =	rddreg [dreg:$0x1];
	p0 =	sne.s32 s2, $0x0  }
0xd2: {  	s3 =	rddreg [dreg:$0x2];
	[bflag:$0x3] =	sbarrier.arrive $0xFFFF;
	s2 =	simm.s32 @!p0 $0x1C01  }
0xd3: {  	[timem:s3], [sflag:s2] =	dma.local @!p0 [hbm:s0], s1  }
0xd4: {  	s0 =	simm.s32 @!p0 $0x1  }
0xd5: {  	_ =	swait.ge @!p0 [sflag:s0], s1  }
0xd6: {  	s1 =	ssub.s32 @!p0 $0x0, s1;
	[sflag:s0] =	ssyncset.done @!p0 $0x0  }
0xd7: {  	[sflag:s0] =	ssyncadd.s32 @!p0 s1  }
0xd8: {  	[bflag:$0x3] =	sbarrier.arrive $0xFFFF  }
0xd9: {  	_ =	shalt  }

// kernel: sparse-core-data-format-call.cloned.1.call-start
scs
called_computation_lowered:
.L_overlay_start_0:
0x0: {  	s2 =	sld [smem:$0x3FD9]  }
0x1: {  	s3 =	sld [smem:$0x3FFE];
	_ =	sdelay $0x1  }
0x2: {  	s1 =	srdreg.scid  }
0x3: {  	s0 =	sand.u32 $0x1, s1  }
0x4: {  	s18 =	sshll.u32 s0, $0xA;
	s2 =	sadd.s32 s3, s2  }
0x5: {  	s2 =	sadd.s32 s2, s18  }
0x6: {  	[smem:$0x3FC3] =	sst s2  }
0x7: {  	_ = 	snop  }
0x8: {  	s2 =	sld [smem:$0x3FD0];
	(tm) =	ssettm $0x1  }
0x9: {  	s19 =	sld [smem:$0x3FFB];
	_ =	sdelay $0x3  }
0xa: {  	_ =	strace s19  }
0xb: {  	s3 =	sld [smem:$0x3FFC];
	_ =	sdelay $0x3  }
0xc: {  	_ =	strace s3  }
0xd: {  	s3 =	sld [smem:$0x3FFD];
	_ =	sdelay $0x3  }
0xe: {  	_ =	strace s3  }
0xf: {  	_ =	strace $0x8FFFFFFF  }
0x10: {  	s20 =	sld [smem:$0x3FDB];
	_ =	sdelay $0x1  }
0x11: {  	s4 =	simm.s32 $_scs_section_size  }
0x12: {  	s5 =	simm.s32 $_size__tile_overlayer_lowered;
	s6 =	simm.s32 $_tile_overlayer_lowered  }
0x13: {  	s23 =	simm.s32 $0x1BFF;
	s22 =	sshll.u32 s6, $0x1;
	s3 =	sadd.s32 s4, s20  }
0x14: {  	s7 =	simm.s32 $0x0;
	s21 =	sshll.u32 s5, $0x1;
	s5 =	sadd.s32 s22, s3  }
0x15: {  	[timem:s7], [sflag:s23] =	dma.local [hbm:s5], s21  }
0x16: {  	_ =	swait.ge [sflag:s23], s21  }
0x17: {  	s4 =	ssub.s32 $0x0, s21;
	[sflag:s23] =	ssyncset.done $0x0  }
0x18: {  	[sflag:s23] =	ssyncadd.s32 s4;
	_ =	sdelay $0x1  }
0x19: {  	s24 =	simm.s32 $0x1B8B  }
0x1a: {  	_ =	swait.ge [sflag:s24], $0x1  }
0x1b: {  	[sflag:s24] =	ssyncset.done $0x0  }
0x1c: {  	s26 =	simm.s32 $0x1B8E;
	s25 =	sld [smem:$0x3FFE];
	[sflag:s24] =	ssyncadd.s32 $0xFFFFFFFF  }
0x1d: {  	s27 =	simm.s32 $execute0_lowered;
	[smem:$0x3FD2] =	sst s26  }
0x1e: {  	s5 =	sshll.u32 s27, $0x1;
	_ =	strace $0x8000004C;
	[dreg:$0x1] =	wrdreg $0xFFFFFFFF  }
0x1f: {  	s28 =	simm.s32 $_size_execute0_lowered;
	s3 =	sadd.s32 s3, s5;
	[dreg:$0x0] =	wrdreg $0x0  }
0x20: {  	s5 =	sshll.u32 s28, $0x1;
	[dreg:$0x2] =	wrdreg s3  }
0x21: {  	[dreg:$0x3] =	wrdreg s5  }
0x22: {  	[dreg:$0x4] =	wrdreg $0xC0  }
0x23: {  	_ =	task [dreg:s7], $0x5FFFF  }
0x24: {  	[dreg:$0x1] =	wrdreg $0xFFFFFFFF  }
0x25: {  	[dreg:$0x0] =	wrdreg $0x60  }
0x26: {  	[dreg:$0x2] =	wrdreg s25  }
0x27: {  	[dreg:$0x3] =	wrdreg s2  }
0x28: {  	[dreg:$0x4] =	wrdreg $0x9  }
0x29: {  	_ =	task.clear_ibuf [dreg:s7], $0x5FFFF;
	_ =	strace $0x9000004C  }
0x2a: {  	s29 =	simm.s32 $0x9;
	_ =	strace $0x8000004E  }
0x2b: {  	_ =	swait.ge [sflag:s29], $0x1  }
0x2c: {  	[sflag:s29] =	ssyncadd.s32 $0xFFFFFFFF  }
0x2d: {  	_ =	strace $0x9000004E  }
0x2e: {  	_ =	sfence  }
0x2f: {  	s30 =	sld [smem:$0x0];
	_ =	sdelay $0x2  }
0x30: {  	s31 =	sshll.u32 s1, $0xD;
	s1 =	sshrl.u32 s1, $0x2  }
0x31: {  	s3 =	sand.u32 $0x4000, s31;
	s1 =	sadd.s32 s1, s30  }
0x32: {  	s0 =	sor.u32 s3, s0;
	s1 =	sshll.u32 s1, $0x11  }
0x33: {  	s0 =	sor.u32 s1, s0  }
0x34: {  	s0 =	sadd.s32 $0x8F2B, s0  }
0x35: {  	[sflag:s0] =	ssyncadd.remote.s32 $0x1  }
0x36: {  	_ =	sfence.sel $0xFFFF  }
0x37: {  	[dreg:$0x0] =	wrdreg $0xFFFFFFFF;
	(pc) =	sbr.abs _section_cstart, $3  }
0x38: {  	[dreg:$0x1] =	wrdreg $0xFFFFFFFF  }
0x39: {  	_ =	task.clear_ibuf [dreg:s7], $0x2FFFF;
	_ =	strace $0x9FFFFFFF  }
0x3a: {  	(tm) =	ssettm $0x7FFFFFFF  }
0x3b: {  	_ =	shalt  }
tec
execute0_lowered:
.L_overlay_start_1:
0x0: {  	(tag) =	ssettag $0x1  }
0x1: {  	s4 =	rddreg [dreg:$0x0]  }
0x2: {  	s0 =	stileid.u32;
	s2 =	rddreg [dreg:$0x1]  }
0x3: {  	s7 =	srdreg.scid;
	s8 =	simm.s32 $0x2;
	s16 =	simm.s32 $0x0  }
0x4: {  	s9 =	simm.s32 $0x32000;
	s15 =	simm.s32 $0x0;
	s1 =	sshll.u32 s0, $0x7  }
0x5: {  	s10 =	simm.s32 $0x0;
	s11 =	simm.s32 $0x0;
	s3 =	sand.u32 $0x380, s1  }
0x6: {  	s14 =	simm.s32 $0x0;
	s7 =	sshll.u32 s7, $0x4;
	s5 =	ssub.s32 $0x400, s3  }
0x7: {  	s4 =	sadd.s32 $0x28B000, s4;
	s1 =	rddreg [dreg:$0x2];
	s6 =	sand.u32 $0x380, s5  }
0x8: {  	s7 =	sand.u32 $0x10, s7;
	p0 =	sne.s32 s6, $0x0;
	s6 =	simm.s32 $0x1  }
.Ltmp0:
0x9: {  	s5 =	sshrl.u32 s5, $0xA;
	s6 =	simm.s32 @!p0 $0x0;
	(pc) =	sbr.rel .LBB1_1-.Ltmp0, $4  }
0xa: {  	_ =	strace $0x8000004D;
	s7 =	sor.u32 s0, s7;
	s6 =	sadd.s32 s6, s5  }
0xb: {  	s7 =	sshrl.u32 s7, $0x3;
	s5 =	simm.s32 $0x1;
	s6 =	smul.u32 $0x32, s6  }
0xc: {  	s13 =	smov.u32 s3;
	s12 =	smov.u32 s7;
	[sflag:s5] =	ssyncpa.u1 $0x0  }
0xd: {  	p0 =	por $0x0, $0x0;
	[sflag:s8] =	ssyncpa.u1 $0x0;
	s8 =	sor.u32 $0x1, s6  }
.LBB1_4:
0xe: {  	s21 =	sshra.s32 s21, $0x2;
	s27 =	sshll.u32 s10, $0xA;
	s22 =	sshll.u32 s11, $0x3  }
0xf: {  	s23 =	sshll.u32 s10, $0x7;
	s24 =	sand.u32 $0x78, s11;
	p1 =	sgt.s32 s10, $0xC7  }
0x10: {  	s25 =	sshra.s32 s10, $0x1F;
	s26 =	sshra.s32 s11, $0x1F;
	s20 =	sadd.s32 s21, s20  }
0x11: {  	v5 =	vld [tilespmem:s18+$0xFFFFFFD0];
	[tilespmem:s19+$0x2040 ss:$0x81] =	vst.msk $0xffff, v4;
	s21 =	sand.u32 $0xFFFFE000, s27;
	s22 =	sand.u32 $0xFFFFFC00, s22;
	s28 =	sand.u32 $0x380, s23  }
0x12: {  	v58 =	vld [tilespmem:s18+$0xFFFFFFE0];
	[tilespmem:s19+$0x2850 ss:$0x81] =	vst.msk $0xffff, v3;
	s23 =	smov.u32 s10;
	s30 =	sand.u32 s25, s10;
	s25 =	smov.u32 s11  }
0x13: {  	v59 =	vld [tilespmem:s18+$0xFFFFFFF0];
	[tilespmem:s19+$0x3060 ss:$0x81] =	vst.msk $0xffff, v2;
	s31 =	sand.u32 s26, s11;
	s21 =	sadd.s32 s22, s21;
	s22 =	sor.u32 s24, s28  }
0x14: {  	v60 =	vld [tilespmem:s18+$0x0];
	[tilespmem:s19+$0x0 ss:$0x81] =	vst.msk $0xffff, v1;
	s23 =	simm.s32 @!p1 $0xC7;
	p1 =	sgt.s32 s11, $0x380;
	s21 =	sshrl.u32 s21, $0xA  }
0x15: {  	v61 =	vld [tilespmem:s18+$0x10];
	[tilespmem:s20+$0x3870 ss:$0x81] =	vst.msk $0xffff, v0;
	s19 =	ssub.s32 s23, s30;
	s25 =	simm.s32 @!p1 $0x380;
	s29 =	smulhi.u32 $0x147AE15, s21  }
0x16: {  	v62 =	vld [tilespmem:s18+$0x20];
	s23 =	ssub.s32 s25, s31;
	s26 =	ssub.s32 $0xC8, s19;
	s27 =	sadd.s32 $0xFFFFFF39, s19;
	[tilespmem:s20+$0x810 ss:$0x81] =	vst.msk $0xffff, v5  }
0x17: {  	v63 =	vld [tilespmem:s18+$0xFFFFFFC0];
	[tilespmem:s20+$0x1020 ss:$0x81] =	vst.msk $0xffff, v58;
	s19 =	smul.u32 $0x64, s26;
	s28 =	sadd.s32 $0xFFFFFC80, s23;
	p1 =	sgt.s32 s27, $0x0  }
0x18: {  	[tilespmem:s20+$0x1830 ss:$0x81] =	vst.msk $0xffff, v59;
	s18 =	ssub.s32 $0x400, s23;
	s24 =	smul.u32 $0xC8, s29;
	p2 =	sgt.s32 s28, $0x7F  }
0x19: {  	s30 =	sand.u32 $0x7, s11;
	[tilespmem:s20+$0x2040 ss:$0x81] =	vst.msk $0xffff, v60;
	s19 =	simm.s32 @p1 $0x0;
	s18 =	simm.s32 @p2 $0x0  }
0x1a: {  	[tilespmem:s20+$0x2850 ss:$0x81] =	vst.msk $0xffff, v61;
	s29 =	sshrl.u32 s22, $0x3;
	s21 =	ssub.s32 s21, s24;
	s18 =	smul.u32 s18, s19  }
0x1b: {  	[tilespmem:s20+$0x3060 ss:$0x81] =	vst.msk $0xffff, v62;
	s22 =	sshll.u32 s30, $0x12;
	s19 =	sadd.s32 s2, s29;
	s21 =	sshll.u32 s21, $0x7  }
0x1c: {  	[tilespmem:s20+$0x0 ss:$0x81] =	vst.msk $0xffff, v63;
	s31 =	sor.u32 $0x80, s22;
	s18 =	sand.u32 $0x3FFFFFFC, s18;
	s19 =	sadd.s32 s21, s19  }
0x1d: {  	[hbm4b:s19+s31] =	stream.strided.scatter [tilespmem:s17], [sflag:$0x2], s18, s9, s31, $0x20;
	[tilespmem:$0x10100] =	vst v63  }
.LBB1_5:
0x1e: {  	p1 =	slt.u32 s14, $0x2  }
0x1f: {  	s18 =	smov.u32 s16;
	p2 =	sgt.s32 @!p1 s16, $0xC7;
	s17 =	sshra.s32 @!p1 s16, $0x1F  }
0x20: {  	p3 =	sgt.s32 @!p1 s15, $0x380;
	s19 =	sshra.s32 @!p1 s15, $0x1F;
	p2 =	por !p2, p1  }
0x21: {  	s16 =	sand.u32 @!p1 s17, s16;
	p3 =	por !p3, p1;
	s17 =	smov.u32 s15  }
0x22: {  	s15 =	sand.u32 @!p1 s19, s15;
	s18 =	simm.s32 @p2 $0xC7;
	s17 =	simm.s32 @p3 $0x380  }
0x23: {  	s19 =	smov.u32 s13;
	s16 =	ssub.s32 @!p1 s18, s16;
	s15 =	ssub.s32 @!p1 s17, s15  }
0x24: {  	s17 =	sadd.s32 @!p1 $0xFFFFFF39, s16;
	s16 =	ssub.s32 @!p1 $0xC8, s16;
	s18 =	sadd.s32 @!p1 $0xFFFFFC80, s15  }
0x25: {  	p2 =	sgt.s32 @!p1 s17, $0x0;
	s16 =	smul.u32 @!p1 $0x64, s16;
	p3 =	sgt.s32 @!p1 s18, $0x7F  }
0x26: {  	s15 =	ssub.s32 @!p1 $0x400, s15;
	p2 =	por !p2, p1;
	p3 =	por !p3, p1  }
0x27: {  	s17 =	sadd.s32 $0x4, s12;
	s16 =	simm.s32 @!p2 $0x0;
	s15 =	simm.s32 @!p3 $0x0  }
0x28: {  	p2 =	sgt.s32 s17, $0xC7;
	s15 =	smul.u32 @!p1 s15, s16;
	s16 =	sadd.s32 $0x400, s13  }
0x29: {  	s19 =	smov.u32 @p2 s16  }
0x2a: {  	s17 =	smov.u32 @p2 s7;
	p2 =	sgt.s32 s19, $0x3FF  }
0x2b: {  	s19 =	smov.u32 @p2 s3;
	p2 =	sne.s32 s14, s8  }
.Ltmp1:
0x2c: {  	p0 =	por !p0, !p0;
	s18 =	simm.s32 @!p1 $0x2;
	(pc) =	sbr.rel @!p2 .LBB1_6-.Ltmp1, $4  }
0x2d: {  	s16 =	smov.u32 s10;
	s10 =	smov.u32 s12;
	s15 =	sand.u32 @!p1 $0x3FFFFFFC, s15  }
0x2e: {  	s12 =	smov.u32 s17;
	_ =	swait.ge @!p1 [sflag:s18], s15;
	s20 =	ssub.s32 @!p1 $0x0, s15  }
0x2f: {  	s15 =	smov.u32 s11;
	s14 =	sadd.s32 $0x1, s14;
	[sflag:s18] =	ssyncset.done @!p1 $0x0  }
0x30: {  	s11 =	smov.u32 s13;
	s13 =	smov.u32 s19;
	[sflag:s18] =	ssyncadd.s32 @!p1 s20  }
.LBB1_1:
0x31: {  	p1 =	sge.u32 s14, s6  }
0x32: {  	s17 =	sand.u32 @!p1 $0x1FFFFFF, s12  }
0x33: {  	s18 =	smulhi.u32 @!p1 $0x147AE15, s17;
	_ =	sdelay $0x1  }
0x34: {  	s18 =	smul.u32 @!p1 $0xC8, s18  }
0x35: {  	s19 =	sxor.u32 @!p1 $0xFFFFFFFF, s14;
	s20 =	smul.u32 @!p1 $0xC80, s13  }
0x36: {  	s31 =	sadd.s32 $0xFFFFFFFF, s14;
	s19 =	sshll.u32 @!p1 s19, $0xE;
	s17 =	ssub.s32 @!p1 s17, s18  }
0x37: {  	s18 =	sand.u32 @!p1 $0x4000, s19;
	s19 =	sadd.s32 @!p1 s4, s20;
	s17 =	sshll.u32 @!p1 s17, $0x4  }
0x38: {  	s20 =	simm.s32 @!p1 $0x6400;
	s17 =	sadd.s32 @!p1 s17, s19;
	s19 =	simm.s32 @!p1 $0x80  }
0x39: {  	[tilespmem:s18], [sflag:$0x1] =	stream.strided.gather @!p1 [hbm4b:s17+s19], $0x4000, s20, s19, $0x38;
	[tilespmem:$0x10100] =	vst v63  }
0x3a: {  	p1 =	sge.u32 s31, s6  }
.Ltmp2:
0x3b: {  	_ = 	snop;
	(pc) =	sbr.rel @p1 .LBB1_5-.Ltmp2, $1  }
0x3c: {  	_ =	sdelay $0x3  }
0x3d: {  	s17 =	simm.s32 $0x1  }
0x3e: {  	_ =	swait.ge [sflag:s5], $0x4000;
	s17 =	simm.s32 @!p0 $0x0  }
0x3f: {  	[sflag:s5] =	ssyncset.done $0x0;
	s18 =	sshll.u32 s17, $0xE  }
0x40: {  	[sflag:s5] =	ssyncadd.s32 $0xFFFFC000;
	s18 =	sor.u32 $0x40, s18  }
0x41: {  	s17 =	smul.u32 $0x10200, s17;
	v0 =	vld [tilespmem:s18+$0x30]  }
0x42: {  	v1 =	vld [tilespmem:s18+$0xFFFFFFD0]  }
0x43: {  	s17 =	sshrl.u32 s17, $0x2;
	v5 =	vld [tilespmem:s18+$0xFFFFFFE0]  }
0x44: {  	v6 =	vld [tilespmem:s18+$0xFFFFFFF0];
	s20 =	sor.u32 $0x8000, s17  }
0x45: {  	s31 =	sand.u32 $0x1, s14;
	v4 =	vld [tilespmem:s18+$0x0];
	s19 =	sadd.s32 $0x0, s20  }
0x46: {  	v3 =	vld [tilespmem:s18+$0x10];
	s17 =	smul.u32 $0x10200, s31;
	[tilespmem:s19+$0x3870 ss:$0x81] =	vst.msk $0xffff, v0  }
0x47: {  	v2 =	vld [tilespmem:s18+$0x20];
	[tilespmem:s19+$0x810 ss:$0x81] =	vst.msk $0xffff, v1  }
0x48: {  	s17 =	sshrl.u32 s17, $0x2;
	v1 =	vld [tilespmem:s18+$0xFFFFFFC0];
	[tilespmem:s19+$0x1020 ss:$0x81] =	vst.msk $0xffff, v5;
	s18 =	sadd.s32 $0x80, s18  }
0x49: {  	s21 =	simm.s32 $0x4;
	s22 =	simm.s32 $0x8;
	s17 =	sor.u32 $0x8000, s17;
	[tilespmem:s19+$0x1830 ss:$0x81] =	vst.msk $0xffff, v6;
	v0 =	vld [tilespmem:s18+$0x30]  }
.LBB1_3:
0x4a: {  	p1 =	sne.s32 s22, $0x1FC;
	v5 =	vld [tilespmem:s18+$0xFFFFFFD0];
	[tilespmem:s19+$0x2040 ss:$0x81] =	vst.msk $0xffff, v4  }
0x4b: {  	v6 =	vld [tilespmem:s18+$0xFFFFFFE0];
	[tilespmem:s19+$0x2850 ss:$0x81] =	vst.msk $0xffff, v3  }
0x4c: {  	s23 =	sshra.s32 s21, $0x2;
	s21 =	smov.u32 s22;
	v7 =	vld [tilespmem:s18+$0xFFFFFFF0];
	[tilespmem:s19+$0x3060 ss:$0x81] =	vst.msk $0xffff, v2  }
.Ltmp3:
0x4d: {  	v4 =	vld [tilespmem:s18+$0x0];
	[tilespmem:s19+$0x0 ss:$0x81] =	vst.msk $0xffff, v1;
	s19 =	sadd.s32 s23, s20;
	(pc) =	sbr.rel @p1 .LBB1_3-.Ltmp3, $4  }
0x4e: {  	v3 =	vld [tilespmem:s18+$0x10];
	[tilespmem:s19+$0x3870 ss:$0x81] =	vst.msk $0xffff, v0  }
0x4f: {  	[tilespmem:s19+$0x810 ss:$0x81] =	vst.msk $0xffff, v5;
	v2 =	vld [tilespmem:s18+$0x20]  }
0x50: {  	v1 =	vld [tilespmem:s18+$0xFFFFFFC0];
	[tilespmem:s19+$0x1020 ss:$0x81] =	vst.msk $0xffff, v6;
	s18 =	sadd.s32 $0x80, s18  }
0x51: {  	s22 =	sadd.s32 $0x4, s22;
	v0 =	vld [tilespmem:s18+$0x30];
	[tilespmem:s19+$0x1830 ss:$0x81] =	vst.msk $0xffff, v7  }
.Ltmp4:
0x52: {  	_ = 	snop;
	(pc) =	sbr.rel .LBB1_4-.Ltmp4, $1  }
0x53: {  	_ =	sdelay $0x3  }
.LBB1_6:
0x54: {  	_ =	sfence.sel $0x180000  }
0x55: {  	s2 =	simm.s32 $0x1;
	[bflag:$0x0] =	sbarrier.arrive $0xFFFF  }
0x56: {  	s31 =	simm.s32 $0x2;
	[sflag:s2] =	ssyncpa.u1 $0x1  }
0x57: {  	[sflag:s31] =	ssyncpa.u1 $0x1  }
0x58: {  	p0 =	sne.s32 s0, $0x0;
	_ =	strace $0x9000004D  }
0x59: {  	s0 =	sadd.s32 @!p0 $0x100000, s1;
	[bflag:$0x2] =	sbarrier.arrive $0xFFFF  }
0x5a: {  	[sflag:s0] =	ssyncadd.tile.s32 @!p0 $0x1;
	_ =	shalt  }
.Lfunc_end1:
_tile_overlayer_lowered:
.L_overlay_start_2:
0x5b: {  	(tag) =	ssettag $0x2  }
0x5c: {  	s0 =	rddreg [dreg:$0x0];
	s2 =	stileid.u32  }
0x5d: {  	s1 =	rddreg [dreg:$0x1];
	p0 =	sne.s32 s2, $0x0  }
0x5e: {  	s3 =	rddreg [dreg:$0x2];
	[bflag:$0x3] =	sbarrier.arrive $0xFFFF;
	s2 =	simm.s32 @!p0 $0x1C01  }
0x5f: {  	[timem:s3], [sflag:s2] =	dma.local @!p0 [hbm:s0], s1  }
0x60: {  	s0 =	simm.s32 @!p0 $0x1  }
0x61: {  	_ =	swait.ge @!p0 [sflag:s0], s1  }
0x62: {  	s1 =	ssub.s32 @!p0 $0x0, s1;
	[sflag:s0] =	ssyncset.done @!p0 $0x0  }
0x63: {  	[sflag:s0] =	ssyncadd.s32 @!p0 s1  }
0x64: {  	[bflag:$0x3] =	sbarrier.arrive $0xFFFF  }
0x65: {  	_ =	shalt  }

</sc_bundles>
